<compile_context>
chip_gen: v7x
topology: tpu7x:2x2x1
jax: 0.10.2.dev20260603
libtpu: 0.0.44.dev20260713+nightly
codegen_flags: <defaults>
</compile_context>

<pallas_src>
import functools

import jax
import jax.numpy as jnp
from jax import lax
from jax.experimental import pallas as pl
from jax.experimental.pallas import tpu as pltpu
from jax.experimental.pallas import tpu_sc as plsc

NC = 2
NS = 16
NW = NC * NS
CHUNK = 128
FRAC0 = 0.555


def _mesh():
    return plsc.VectorSubcoreMesh(
        core_axis_name="c", subcore_axis_name="s",
        num_cores=NC, num_subcores=NS)


@functools.lru_cache(maxsize=None)
def _make_deg_kernel(npn: int, k: int):
    rows_per_tile = npn // NS

    @functools.partial(
        pl.kernel, mesh=_mesh(),
        out_type=jax.ShapeDtypeStruct((NC, 2, npn), jnp.float32),
        scratch_types=[
            pltpu.VMEM((k, CHUNK), jnp.int32),
            pltpu.VMEM((k, CHUNK), jnp.int32),
            pltpu.VMEM((CHUNK,), jnp.float32),
            pltpu.VMEM((CHUNK,), jnp.float32),
            pltpu.VMEM_SHARED((npn,), jnp.float32),
            pltpu.VMEM_SHARED((npn,), jnp.float32),
        ],
    )
    def deg_kernel(src_hbm, dst_hbm, out_hbm,
                   src_v, dst_v, ones_v, zeros_v, dego_s, degi_s):
        cid = lax.axis_index("c")
        sid = lax.axis_index("s")
        wid = sid * NC + cid

        def fill(i, _):
            ones_v[pl.ds(i * 16, 16)] = jnp.full((16,), 1.0, jnp.float32)
            zeros_v[pl.ds(i * 16, 16)] = jnp.zeros((16,), jnp.float32)
            return 0
        lax.fori_loop(0, CHUNK // 16, fill, 0)

        base = sid * rows_per_tile

        def zrow(i, _):
            pltpu.sync_copy(zeros_v, dego_s.at[pl.ds(base + i * CHUNK, CHUNK)])
            pltpu.sync_copy(zeros_v, degi_s.at[pl.ds(base + i * CHUNK, CHUNK)])
            return 0
        lax.fori_loop(0, rows_per_tile // CHUNK, zrow, 0)
        plsc.subcore_barrier()

        pltpu.sync_copy(src_hbm.at[wid], src_v)
        pltpu.sync_copy(dst_hbm.at[wid], dst_v)

        def body(j, _):
            pltpu.sync_copy(ones_v, dego_s.at[src_v.at[j]], add=True)
            pltpu.sync_copy(ones_v, degi_s.at[dst_v.at[j]], add=True)
            return 0
        lax.fori_loop(0, k, body, 0)
        plsc.subcore_barrier()

        pltpu.sync_copy(dego_s.at[pl.ds(base, rows_per_tile)],
                        out_hbm.at[cid, 0, pl.ds(base, rows_per_tile)])
        pltpu.sync_copy(degi_s.at[pl.ds(base, rows_per_tile)],
                        out_hbm.at[cid, 1, pl.ds(base, rows_per_tile)])

    return deg_kernel


@functools.lru_cache(maxsize=None)
def _make_agg_kernel(npn: int, d: int, k0: int, k1: int):
    rows_per_tile = npn // NS
    kbuf = max(k0, k1)
    kbuf += -kbuf % 8

    @functools.partial(
        pl.kernel, mesh=_mesh(),
        out_type=jax.ShapeDtypeStruct((NC, npn, d), jnp.float32),
        scratch_types=[
            pltpu.VMEM((kbuf, CHUNK), jnp.int32),
            pltpu.VMEM((kbuf, CHUNK), jnp.int32),
            pltpu.VMEM((CHUNK, d), jnp.float32),
            pltpu.VMEM_SHARED((npn, d), jnp.float32),
        ],
    )
    def agg_kernel(g_hbm, src_hbm, dst_hbm, out_hbm,
                   src_v, dst_v, rows_v, agg_s):
        cid = lax.axis_index("c")
        sid = lax.axis_index("s")

        nv = CHUNK * d // 16

        def fz(i, _):
            rows_v[i // (d // 16), pl.ds((i % (d // 16)) * 16, 16)] = (
                jnp.zeros((16,), jnp.float32))
            return 0
        lax.fori_loop(0, nv, fz, 0)

        base = sid * rows_per_tile

        def zrow(i, _):
            pltpu.sync_copy(rows_v, agg_s.at[pl.ds(base + i * CHUNK, CHUNK)])
            return 0
        lax.fori_loop(0, rows_per_tile // CHUNK, zrow, 0)
        plsc.subcore_barrier()

        cbase = cid * kbuf
        pltpu.sync_copy(src_hbm.at[sid, pl.ds(cbase, kbuf)], src_v)
        pltpu.sync_copy(dst_hbm.at[sid, pl.ds(cbase, kbuf)], dst_v)
        trip = jnp.where(cid == 0, k0, k1)

        def body(j, _):
            pltpu.sync_copy(g_hbm.at[src_v.at[j]], rows_v)
            pltpu.sync_copy(rows_v, agg_s.at[dst_v.at[j]], add=True)
            return 0
        lax.fori_loop(0, trip, body, 0)
        plsc.subcore_barrier()

        pltpu.sync_copy(agg_s.at[pl.ds(base, rows_per_tile)],
                        out_hbm.at[cid, pl.ds(base, rows_per_tile)])

    return agg_kernel


def _norm_cols(degs):
    norm_out = lax.rsqrt(jnp.maximum(degs[:, 0:1] + degs[:, 1:2], 1.0))
    norm_in = lax.rsqrt(jnp.maximum(degs[:, 2:3] + degs[:, 3:4], 1.0))
    return norm_out, norm_in


def _tc_first_body(degs_ref, x_ref, w_ref, g_ref):
    norm_out, _ = _norm_cols(degs_ref[...])
    xw = jnp.dot(x_ref[...], w_ref[...], preferred_element_type=jnp.float32)
    g_ref[...] = xw * norm_out


def _tc_mid_body(degs_ref, agg_ref, b_ref, w_ref, g_ref):
    norm_out, norm_in = _norm_cols(degs_ref[...])
    agg = agg_ref[0] + agg_ref[1]
    h = jnp.maximum(agg * norm_in + b_ref[...][None, :], 0.0)
    hw = jnp.dot(h, w_ref[...], preferred_element_type=jnp.float32)
    g_ref[...] = hw * norm_out


def _tc_last_body(degs_ref, agg_ref, b_ref, out_ref):
    _, norm_in = _norm_cols(degs_ref[...])
    agg = agg_ref[0] + agg_ref[1]
    out_ref[...] = agg * norm_in + b_ref[...][None, :]


def _tc_call(body, out_shape, *args):
    return pl.pallas_call(
        body, out_shape=jax.ShapeDtypeStruct(out_shape, jnp.float32))(*args)


def kernel(features, edge_index, W1, b1, W2, b2, W3, b3):
    n, d_in = features.shape
    e = edge_index.shape[1]
    d_h = W1.shape[1]
    d_out = W3.shape[1]

    k = -(-e // (NW * CHUNK))
    ep = NW * k * CHUNK
    npn = -(-(n + 1) // (NS * CHUNK)) * (NS * CHUNK)

    src = edge_index[0]
    dst = edge_index[1]
    pad = ep - e
    dst_s = jnp.pad(dst, (0, pad), constant_values=n).reshape(NW, k, CHUNK)
    src_d = jnp.pad(src, (0, pad), constant_values=n).reshape(NW, k, CHUNK)

    e_pair = -(-e // NS)
    kp = -(-e_pair // CHUNK)
    k0 = max(1, min(kp - 1, round(kp * FRAC0)))
    k1 = kp - k0
    kbuf = max(k0, k1)
    kbuf += -kbuf % 8

    def _pair_layout(v, fill):
        vp = jnp.pad(v, (0, NS * e_pair - e), constant_values=fill)
        vp = vp.reshape(NS, e_pair)
        c0 = k0 * CHUNK
        p0 = jnp.pad(vp[:, :c0], ((0, 0), (0, kbuf * CHUNK - c0)),
                     constant_values=fill)
        p1 = jnp.pad(vp[:, c0:], ((0, 0), (0, kbuf * CHUNK - (e_pair - c0))),
                     constant_values=fill)
        return jnp.concatenate([p0, p1], axis=1).reshape(NS, 2 * kbuf, CHUNK)

    src_g = _pair_layout(src, 0)
    dst_g = _pair_layout(dst, n)

    x_p = jnp.pad(features, ((0, npn - n), (0, 0)))

    deg_parts = _make_deg_kernel(npn, k)(src_d, dst_s)
    degs = jnp.transpose(deg_parts, (2, 1, 0)).reshape(npn, 4)

    w3_p = jnp.pad(W3, ((0, 0), (0, d_h - d_out)))
    b3_p = jnp.pad(b3, (0, d_h - d_out))

    agg = _make_agg_kernel(npn, d_h, k0, k1)
    g1 = _tc_call(_tc_first_body, (npn, d_h), degs, x_p, W1)
    a1 = agg(g1, src_g, dst_g)
    g2 = _tc_call(_tc_mid_body, (npn, d_h), degs, a1, b1, W2)
    a2 = agg(g2, src_g, dst_g)
    g3 = _tc_call(_tc_mid_body, (npn, d_h), degs, a2, b2, w3_p)
    a3 = agg(g3, src_g, dst_g)
    logits = _tc_call(_tc_last_body, (npn, d_h), degs, a3, b3_p)
    return logits[:n, :d_out]

# --- scband reference (transcript-rebuilt; emitter-appended) ---
"""Pipeline reference for scband-gcn-80633716015250 (READ-ONLY COPY).

The authoritative reference and input builder live on the scoring server;
editing this copy changes nothing except your own understanding.
"""

import jax, jax.numpy as jnp
import numpy as np

N = 10000
E = 320000
D_IN = 128
D_H = 128
N_CLASSES = 64


def setup_inputs(seed: int = 0) -> dict:
    key = jax.random.key(seed)
    ks = jax.random.split(key, 9)
    features = jax.random.normal(ks[0], (N, D_IN), dtype=jnp.float32)
    edge_index = jax.random.randint(ks[1], (2, E), 0, N, dtype=jnp.int32)
    # Learned parameters for 3 GraphConv layers (n_layers=2 -> in->hid, hid->hid, hid->classes)
    W1 = jax.random.normal(ks[2], (D_IN, D_H), dtype=jnp.float32) * (1.0 / np.sqrt(D_IN))
    b1 = jnp.zeros((D_H,), dtype=jnp.float32)
    W2 = jax.random.normal(ks[3], (D_H, D_H), dtype=jnp.float32) * (1.0 / np.sqrt(D_H))
    b2 = jnp.zeros((D_H,), dtype=jnp.float32)
    W3 = jax.random.normal(ks[4], (D_H, N_CLASSES), dtype=jnp.float32) * (1.0 / np.sqrt(D_H))
    b3 = jnp.zeros((N_CLASSES,), dtype=jnp.float32)
    return {"features": features, "edge_index": edge_index,
            "W1": W1, "b1": b1, "W2": W2, "b2": b2, "W3": W3, "b3": b3}


def _gcn_layer(h, W, b, src, dst, norm_src_e, norm_dst_n, activation):
    # DGL GraphConv with norm='both': D^{-1/2} A D^{-1/2} (h W) + b
    h = h @ W
    m = h[src] * norm_src_e[:, None]            # gather + per-edge scale
    agg = jax.ops.segment_sum(m, dst, num_segments=N)  # scatter-add by dst
    h = agg * norm_dst_n[:, None] + b
    if activation:
        h = jax.nn.relu(h)
    return h


def reference(features, edge_index, W1, b1, W2, b2, W3, b3):
    src = edge_index[0]
    dst = edge_index[1]
    ones = jnp.ones((E,), dtype=jnp.float32)
    out_deg = jax.ops.segment_sum(ones, src, num_segments=N)
    in_deg = jax.ops.segment_sum(ones, dst, num_segments=N)
    norm_out = jax.lax.rsqrt(jnp.clip(out_deg, 1.0, None))
    norm_in = jax.lax.rsqrt(jnp.clip(in_deg, 1.0, None))
    norm_src_e = norm_out[src]
    # dropout is identity in eval mode
    h = _gcn_layer(features, W1, b1, src, dst, norm_src_e, norm_in, True)
    h = _gcn_layer(h, W2, b2, src, dst, norm_src_e, norm_in, True)
    logits = _gcn_layer(h, W3, b3, src, dst, norm_src_e, norm_in, False)
    return logits

if __name__ == "__main__":
    import jax
    _d = setup_inputs()
    print(jax.jit(kernel)(*tuple(_d.values())))

</pallas_src>

<mosaic_0001>
#map = affine_map<(d0, d1) -> (0, 0, 0)>
module attributes {stable_mosaic.version = 14 : i64} {
  func.func @deg_kernel(%arg0: i32, %arg1: i32, %arg2: memref<32x79x128xi32, #tpu.memory_space<hbm>>, %arg3: memref<32x79x128xi32, #tpu.memory_space<hbm>>, %arg4: memref<2x2x10240xf32, #tpu.memory_space<hbm>>, %arg5: memref<79x128xi32, #tpu.memory_space<vmem>>, %arg6: memref<79x128xi32, #tpu.memory_space<vmem>>, %arg7: memref<128xf32, #tpu.memory_space<vmem>>, %arg8: memref<128xf32, #tpu.memory_space<vmem>>, %arg9: memref<10240xf32, #tpu.memory_space<vmem_shared>>, %arg10: memref<10240xf32, #tpu.memory_space<vmem_shared>>) attributes {dimension_semantics = [#tpu.dimension_semantics<core_parallel>, #tpu.dimension_semantics<subcore_parallel>], iteration_bounds = array<i64: 2, 16>, scalar_prefetch = 0 : i64, scratch_operands = 6 : i64, tpu.core_type = #tpu.core_type<sc_vector_subcore>, window_params = [{transform_indices = #map}, {transform_indices = #map}, {transform_indices = #map}]} {
    %mul3A = arith.constant 2 : i32
    %mul3A_0 = arith.muli %arg1, %mul3A : i32
    %add3A = arith.addi %mul3A_0, %arg0 : i32
    %scan3A = arith.constant 0 : i32
    %scan3A_1 = arith.constant 0 : i32
    %scan3A_2 = arith.constant 8 : i32
    %scan3A_3 = arith.addi %scan3A_1, %scan3A_2 : i32
    %scan3A_4 = arith.constant 1 : i32
    %scan3A_5 = scf.for %scan3A_25 = %scan3A_1 to %scan3A_3 step %scan3A_4 iter_args(%scan3A_26 = %scan3A) -> (i32)  : i32 {
      %broadcast_in_dim3A = arith.constant 1.000000e+00 : f32
      %broadcast_in_dim3A_27 = vector.broadcast %broadcast_in_dim3A : f32 to vector<16xf32>
      %mul3A_28 = arith.constant 16 : i32
      %mul3A_29 = arith.muli %scan3A_25, %mul3A_28 : i32
      %swap3A = arith.index_cast %mul3A_29 : i32 to index
      %swap3A_30 = tpu.vector_load %arg7[%swap3A] {strides = array<i32>} : memref<128xf32, #tpu.memory_space<vmem>>, vector<16xf32>,
      %swap3A_31 = vector.shape_cast %swap3A_30 : vector<16xf32> to vector<16xf32>
      %swap3A_32 = vector.shape_cast %broadcast_in_dim3A_27 : vector<16xf32> to vector<16xf32>
      tpu.vector_store %arg7[%swap3A], %swap3A_32 {strides = array<i32>} : memref<128xf32, #tpu.memory_space<vmem>>, vector<16xf32>,
      %broadcast_in_dim3A_33 = arith.constant 0.000000e+00 : f32
      %broadcast_in_dim3A_34 = vector.broadcast %broadcast_in_dim3A_33 : f32 to vector<16xf32>
      %mul3A_35 = arith.constant 16 : i32
      %mul3A_36 = arith.muli %scan3A_25, %mul3A_35 : i32
      %swap3A_37 = arith.index_cast %mul3A_36 : i32 to index
      %swap3A_38 = tpu.vector_load %arg8[%swap3A_37] {strides = array<i32>} : memref<128xf32, #tpu.memory_space<vmem>>, vector<16xf32>,
      %swap3A_39 = vector.shape_cast %swap3A_38 : vector<16xf32> to vector<16xf32>
      %swap3A_40 = vector.shape_cast %broadcast_in_dim3A_34 : vector<16xf32> to vector<16xf32>
      tpu.vector_store %arg8[%swap3A_37], %swap3A_40 {strides = array<i32>} : memref<128xf32, #tpu.memory_space<vmem>>, vector<16xf32>,
      %scan3A_41 = arith.constant 0 : i32
      scf.yield %scan3A_41 : i32
    }
    %scan3A_6 = arith.constant 8 : i32
    %mul3A_7 = arith.constant 640 : i32
    %mul3A_8 = arith.muli %arg1, %mul3A_7 : i32
    %scan3A_9 = arith.constant 0 : i32
    %scan3A_10 = arith.constant 0 : i32
    %scan3A_11 = arith.constant 5 : i32
    %scan3A_12 = arith.addi %scan3A_10, %scan3A_11 : i32
    %scan3A_13 = arith.constant 1 : i32
    %scan3A_14 = scf.for %scan3A_25 = %scan3A_10 to %scan3A_12 step %scan3A_13 iter_args(%scan3A_26 = %scan3A_9) -> (i32)  : i32 {
      %mul3A_27 = arith.constant 128 : i32
      %mul3A_28 = arith.muli %scan3A_25, %mul3A_27 : i32
      %add3A_29 = arith.addi %mul3A_8, %mul3A_28 : i32
      "tpu.region"() ({
        %run_scoped3A_34 = tpu.sem_alloc : memref<!tpu.dma_semaphore, #tpu.memory_space<semaphore_mem>>
        %dma_start3A = tpu.memref_slice %arg9[%add3A_29] : memref<10240xf32, #tpu.memory_space<vmem_shared>> -> memref<128xf32, #tpu.memory_space<vmem_shared>>
        %dma_start3A_35 = tpu.memref_slice %arg9[%add3A_29] : memref<10240xf32, #tpu.memory_space<vmem_shared>> -> memref<128xf32, #tpu.memory_space<vmem_shared>>
        tpu.enqueue_dma source(%arg8 : memref<128xf32, #tpu.memory_space<vmem>>) target(%dma_start3A_35 : memref<128xf32, #tpu.memory_space<vmem_shared>>) target_semaphore(%run_scoped3A_34 : memref<!tpu.dma_semaphore, #tpu.memory_space<semaphore_mem>>)
        %dma_wait3A = tpu.memref_slice %arg9[%add3A_29] : memref<10240xf32, #tpu.memory_space<vmem_shared>> -> memref<128xf32, #tpu.memory_space<vmem_shared>>
        %dma_wait3A_36 = tpu.memref_slice %arg9[%add3A_29] : memref<10240xf32, #tpu.memory_space<vmem_shared>> -> memref<128xf32, #tpu.memory_space<vmem_shared>>
        tpu.wait_dma2 semaphore(%run_scoped3A_34 : memref<!tpu.dma_semaphore, #tpu.memory_space<semaphore_mem>>) src(%arg8 : memref<128xf32, #tpu.memory_space<vmem>>) dst(%dma_wait3A_36 : memref<128xf32, #tpu.memory_space<vmem_shared>>)
        tpu.yield
      }) : () -> ()
      %mul3A_30 = arith.constant 128 : i32
      %mul3A_31 = arith.muli %scan3A_25, %mul3A_30 : i32
      %add3A_32 = arith.addi %mul3A_8, %mul3A_31 : i32
      "tpu.region"() ({
        %run_scoped3A_34 = tpu.sem_alloc : memref<!tpu.dma_semaphore, #tpu.memory_space<semaphore_mem>>
        %dma_start3A = tpu.memref_slice %arg10[%add3A_32] : memref<10240xf32, #tpu.memory_space<vmem_shared>> -> memref<128xf32, #tpu.memory_space<vmem_shared>>
        %dma_start3A_35 = tpu.memref_slice %arg10[%add3A_32] : memref<10240xf32, #tpu.memory_space<vmem_shared>> -> memref<128xf32, #tpu.memory_space<vmem_shared>>
        tpu.enqueue_dma source(%arg8 : memref<128xf32, #tpu.memory_space<vmem>>) target(%dma_start3A_35 : memref<128xf32, #tpu.memory_space<vmem_shared>>) target_semaphore(%run_scoped3A_34 : memref<!tpu.dma_semaphore, #tpu.memory_space<semaphore_mem>>)
        %dma_wait3A = tpu.memref_slice %arg10[%add3A_32] : memref<10240xf32, #tpu.memory_space<vmem_shared>> -> memref<128xf32, #tpu.memory_space<vmem_shared>>
        %dma_wait3A_36 = tpu.memref_slice %arg10[%add3A_32] : memref<10240xf32, #tpu.memory_space<vmem_shared>> -> memref<128xf32, #tpu.memory_space<vmem_shared>>
        tpu.wait_dma2 semaphore(%run_scoped3A_34 : memref<!tpu.dma_semaphore, #tpu.memory_space<semaphore_mem>>) src(%arg8 : memref<128xf32, #tpu.memory_space<vmem>>) dst(%dma_wait3A_36 : memref<128xf32, #tpu.memory_space<vmem_shared>>)
        tpu.yield
      }) : () -> ()
      %scan3A_33 = arith.constant 0 : i32
      scf.yield %scan3A_33 : i32
    }
    %scan3A_15 = arith.constant 5 : i32
    %barrier3A = arith.constant 0 : index
    tpu.barrier barrier_id(%barrier3A)
    "tpu.region"() ({
      %run_scoped3A_25 = tpu.sem_alloc : memref<!tpu.dma_semaphore, #tpu.memory_space<semaphore_mem>>
      %dma_start3A = arith.constant 0 : i32
      %dma_start3A_26 = arith.constant 0 : i32
      %dma_start3A_27 = tpu.memref_slice %arg2[%add3A, %dma_start3A, %dma_start3A_26] : memref<32x79x128xi32, #tpu.memory_space<hbm>> -> memref<1x79x128xi32, #tpu.memory_space<hbm>>
      %dma_start3A_28 = tpu.memref_squeeze %dma_start3A_27 : memref<1x79x128xi32, #tpu.memory_space<hbm>> -> memref<79x128xi32, #tpu.memory_space<hbm>>
      %dma_start3A_29 = arith.constant 0 : i32
      %dma_start3A_30 = arith.constant 0 : i32
      %dma_start3A_31 = tpu.memref_slice %arg2[%add3A, %dma_start3A_29, %dma_start3A_30] : memref<32x79x128xi32, #tpu.memory_space<hbm>> -> memref<1x79x128xi32, #tpu.memory_space<hbm>>
      %dma_start3A_32 = tpu.memref_squeeze %dma_start3A_31 : memref<1x79x128xi32, #tpu.memory_space<hbm>> -> memref<79x128xi32, #tpu.memory_space<hbm>>
      tpu.enqueue_dma source(%dma_start3A_32 : memref<79x128xi32, #tpu.memory_space<hbm>>) target(%arg5 : memref<79x128xi32, #tpu.memory_space<vmem>>) target_semaphore(%run_scoped3A_25 : memref<!tpu.dma_semaphore, #tpu.memory_space<semaphore_mem>>)
      %dma_wait3A = arith.constant 0 : i32
      %dma_wait3A_33 = arith.constant 0 : i32
      %dma_wait3A_34 = tpu.memref_slice %arg2[%add3A, %dma_wait3A, %dma_wait3A_33] : memref<32x79x128xi32, #tpu.memory_space<hbm>> -> memref<1x79x128xi32, #tpu.memory_space<hbm>>
      %dma_wait3A_35 = tpu.memref_squeeze %dma_wait3A_34 : memref<1x79x128xi32, #tpu.memory_space<hbm>> -> memref<79x128xi32, #tpu.memory_space<hbm>>
      %dma_wait3A_36 = arith.constant 0 : i32
      %dma_wait3A_37 = arith.constant 0 : i32
      %dma_wait3A_38 = tpu.memref_slice %arg2[%add3A, %dma_wait3A_36, %dma_wait3A_37] : memref<32x79x128xi32, #tpu.memory_space<hbm>> -> memref<1x79x128xi32, #tpu.memory_space<hbm>>
      %dma_wait3A_39 = tpu.memref_squeeze %dma_wait3A_38 : memref<1x79x128xi32, #tpu.memory_space<hbm>> -> memref<79x128xi32, #tpu.memory_space<hbm>>
      tpu.wait_dma2 semaphore(%run_scoped3A_25 : memref<!tpu.dma_semaphore, #tpu.memory_space<semaphore_mem>>) src(%dma_wait3A_39 : memref<79x128xi32, #tpu.memory_space<hbm>>) dst(%arg5 : memref<79x128xi32, #tpu.memory_space<vmem>>)
      tpu.yield
    }) : () -> ()
    "tpu.region"() ({
      %run_scoped3A_25 = tpu.sem_alloc : memref<!tpu.dma_semaphore, #tpu.memory_space<semaphore_mem>>
      %dma_start3A = arith.constant 0 : i32
      %dma_start3A_26 = arith.constant 0 : i32
      %dma_start3A_27 = tpu.memref_slice %arg3[%add3A, %dma_start3A, %dma_start3A_26] : memref<32x79x128xi32, #tpu.memory_space<hbm>> -> memref<1x79x128xi32, #tpu.memory_space<hbm>>
      %dma_start3A_28 = tpu.memref_squeeze %dma_start3A_27 : memref<1x79x128xi32, #tpu.memory_space<hbm>> -> memref<79x128xi32, #tpu.memory_space<hbm>>
      %dma_start3A_29 = arith.constant 0 : i32
      %dma_start3A_30 = arith.constant 0 : i32
      %dma_start3A_31 = tpu.memref_slice %arg3[%add3A, %dma_start3A_29, %dma_start3A_30] : memref<32x79x128xi32, #tpu.memory_space<hbm>> -> memref<1x79x128xi32, #tpu.memory_space<hbm>>
      %dma_start3A_32 = tpu.memref_squeeze %dma_start3A_31 : memref<1x79x128xi32, #tpu.memory_space<hbm>> -> memref<79x128xi32, #tpu.memory_space<hbm>>
      tpu.enqueue_dma source(%dma_start3A_32 : memref<79x128xi32, #tpu.memory_space<hbm>>) target(%arg6 : memref<79x128xi32, #tpu.memory_space<vmem>>) target_semaphore(%run_scoped3A_25 : memref<!tpu.dma_semaphore, #tpu.memory_space<semaphore_mem>>)
      %dma_wait3A = arith.constant 0 : i32
      %dma_wait3A_33 = arith.constant 0 : i32
      %dma_wait3A_34 = tpu.memref_slice %arg3[%add3A, %dma_wait3A, %dma_wait3A_33] : memref<32x79x128xi32, #tpu.memory_space<hbm>> -> memref<1x79x128xi32, #tpu.memory_space<hbm>>
      %dma_wait3A_35 = tpu.memref_squeeze %dma_wait3A_34 : memref<1x79x128xi32, #tpu.memory_space<hbm>> -> memref<79x128xi32, #tpu.memory_space<hbm>>
      %dma_wait3A_36 = arith.constant 0 : i32
      %dma_wait3A_37 = arith.constant 0 : i32
      %dma_wait3A_38 = tpu.memref_slice %arg3[%add3A, %dma_wait3A_36, %dma_wait3A_37] : memref<32x79x128xi32, #tpu.memory_space<hbm>> -> memref<1x79x128xi32, #tpu.memory_space<hbm>>
      %dma_wait3A_39 = tpu.memref_squeeze %dma_wait3A_38 : memref<1x79x128xi32, #tpu.memory_space<hbm>> -> memref<79x128xi32, #tpu.memory_space<hbm>>
      tpu.wait_dma2 semaphore(%run_scoped3A_25 : memref<!tpu.dma_semaphore, #tpu.memory_space<semaphore_mem>>) src(%dma_wait3A_39 : memref<79x128xi32, #tpu.memory_space<hbm>>) dst(%arg6 : memref<79x128xi32, #tpu.memory_space<vmem>>)
      tpu.yield
    }) : () -> ()
    %scan3A_16 = arith.constant 0 : i32
    %scan3A_17 = arith.constant 0 : i32
    %scan3A_18 = arith.constant 79 : i32
    %scan3A_19 = arith.addi %scan3A_17, %scan3A_18 : i32
    %scan3A_20 = arith.constant 1 : i32
    %scan3A_21 = scf.for %scan3A_25 = %scan3A_17 to %scan3A_19 step %scan3A_20 iter_args(%scan3A_26 = %scan3A_16) -> (i32)  : i32 {
      "tpu.region"() ({
        %run_scoped3A_28 = tpu.sem_alloc : memref<!tpu.dma_semaphore, #tpu.memory_space<semaphore_mem>>
        %dma_start3A = arith.constant 0 : i32
        %dma_start3A_29 = tpu.memref_slice %arg5[%scan3A_25, %dma_start3A] : memref<79x128xi32, #tpu.memory_space<vmem>> -> memref<1x128xi32, #tpu.memory_space<vmem>>
        %dma_start3A_30 = tpu.memref_squeeze %dma_start3A_29 : memref<1x128xi32, #tpu.memory_space<vmem>> -> memref<128xi32, #tpu.memory_space<vmem>>
        %dma_start3A_31 = arith.constant 0 : i32
        %dma_start3A_32 = tpu.memref_slice %arg9[%dma_start3A_31] : memref<10240xf32, #tpu.memory_space<vmem_shared>> -> memref<10240xf32, #tpu.memory_space<vmem_shared>>
        tpu.enqueue_indirect_dma source(%arg7 : memref<128xf32, #tpu.memory_space<vmem>>) target(%dma_start3A_32 : memref<10240xf32, #tpu.memory_space<vmem_shared>>) offsets(%dma_start3A_30 : memref<128xi32, #tpu.memory_space<vmem>>) semaphore(%run_scoped3A_28 : memref<!tpu.dma_semaphore, #tpu.memory_space<semaphore_mem>>) {add = true}
        %dma_wait3A = arith.constant 0 : i32
        %dma_wait3A_33 = tpu.memref_slice %arg5[%scan3A_25, %dma_wait3A] : memref<79x128xi32, #tpu.memory_space<vmem>> -> memref<1x128xi32, #tpu.memory_space<vmem>>
        %dma_wait3A_34 = tpu.memref_squeeze %dma_wait3A_33 : memref<1x128xi32, #tpu.memory_space<vmem>> -> memref<128xi32, #tpu.memory_space<vmem>>
        %dma_wait3A_35 = arith.constant 0 : i32
        %dma_wait3A_36 = tpu.memref_slice %arg9[%dma_wait3A_35] : memref<10240xf32, #tpu.memory_space<vmem_shared>> -> memref<10240xf32, #tpu.memory_space<vmem_shared>>
        tpu.wait_indirect_dma semaphore(%run_scoped3A_28 : memref<!tpu.dma_semaphore, #tpu.memory_space<semaphore_mem>>) src(%arg7 : memref<128xf32, #tpu.memory_space<vmem>>) dst(%dma_wait3A_36 : memref<10240xf32, #tpu.memory_space<vmem_shared>>)
        tpu.yield
      }) : () -> ()
      "tpu.region"() ({
        %run_scoped3A_28 = tpu.sem_alloc : memref<!tpu.dma_semaphore, #tpu.memory_space<semaphore_mem>>
        %dma_start3A = arith.constant 0 : i32
        %dma_start3A_29 = tpu.memref_slice %arg6[%scan3A_25, %dma_start3A] : memref<79x128xi32, #tpu.memory_space<vmem>> -> memref<1x128xi32, #tpu.memory_space<vmem>>
        %dma_start3A_30 = tpu.memref_squeeze %dma_start3A_29 : memref<1x128xi32, #tpu.memory_space<vmem>> -> memref<128xi32, #tpu.memory_space<vmem>>
        %dma_start3A_31 = arith.constant 0 : i32
        %dma_start3A_32 = tpu.memref_slice %arg10[%dma_start3A_31] : memref<10240xf32, #tpu.memory_space<vmem_shared>> -> memref<10240xf32, #tpu.memory_space<vmem_shared>>
        tpu.enqueue_indirect_dma source(%arg7 : memref<128xf32, #tpu.memory_space<vmem>>) target(%dma_start3A_32 : memref<10240xf32, #tpu.memory_space<vmem_shared>>) offsets(%dma_start3A_30 : memref<128xi32, #tpu.memory_space<vmem>>) semaphore(%run_scoped3A_28 : memref<!tpu.dma_semaphore, #tpu.memory_space<semaphore_mem>>) {add = true}
        %dma_wait3A = arith.constant 0 : i32
        %dma_wait3A_33 = tpu.memref_slice %arg6[%scan3A_25, %dma_wait3A] : memref<79x128xi32, #tpu.memory_space<vmem>> -> memref<1x128xi32, #tpu.memory_space<vmem>>
        %dma_wait3A_34 = tpu.memref_squeeze %dma_wait3A_33 : memref<1x128xi32, #tpu.memory_space<vmem>> -> memref<128xi32, #tpu.memory_space<vmem>>
        %dma_wait3A_35 = arith.constant 0 : i32
        %dma_wait3A_36 = tpu.memref_slice %arg10[%dma_wait3A_35] : memref<10240xf32, #tpu.memory_space<vmem_shared>> -> memref<10240xf32, #tpu.memory_space<vmem_shared>>
        tpu.wait_indirect_dma semaphore(%run_scoped3A_28 : memref<!tpu.dma_semaphore, #tpu.memory_space<semaphore_mem>>) src(%arg7 : memref<128xf32, #tpu.memory_space<vmem>>) dst(%dma_wait3A_36 : memref<10240xf32, #tpu.memory_space<vmem_shared>>)
        tpu.yield
      }) : () -> ()
      %scan3A_27 = arith.constant 0 : i32
      scf.yield %scan3A_27 : i32
    }
    %scan3A_22 = arith.constant 79 : i32
    %barrier3A_23 = arith.constant 0 : index
    tpu.barrier barrier_id(%barrier3A_23)
    %run_scoped3A = arith.constant 0 : i32
    "tpu.region"() ({
      %run_scoped3A_25 = tpu.sem_alloc : memref<!tpu.dma_semaphore, #tpu.memory_space<semaphore_mem>>
      %dma_start3A = tpu.memref_slice %arg4[%arg0, %run_scoped3A, %mul3A_8] : memref<2x2x10240xf32, #tpu.memory_space<hbm>> -> memref<1x1x640xf32, #tpu.memory_space<hbm>>
      %dma_start3A_26 = tpu.memref_squeeze %dma_start3A : memref<1x1x640xf32, #tpu.memory_space<hbm>> -> memref<640xf32, #tpu.memory_space<hbm>>
      %dma_start3A_27 = tpu.memref_slice %arg9[%mul3A_8] : memref<10240xf32, #tpu.memory_space<vmem_shared>> -> memref<640xf32, #tpu.memory_space<vmem_shared>>
      tpu.enqueue_dma source(%dma_start3A_27 : memref<640xf32, #tpu.memory_space<vmem_shared>>) target(%dma_start3A_26 : memref<640xf32, #tpu.memory_space<hbm>>) target_semaphore(%run_scoped3A_25 : memref<!tpu.dma_semaphore, #tpu.memory_space<semaphore_mem>>)
      %dma_wait3A = tpu.memref_slice %arg4[%arg0, %run_scoped3A, %mul3A_8] : memref<2x2x10240xf32, #tpu.memory_space<hbm>> -> memref<1x1x640xf32, #tpu.memory_space<hbm>>
      %dma_wait3A_28 = tpu.memref_squeeze %dma_wait3A : memref<1x1x640xf32, #tpu.memory_space<hbm>> -> memref<640xf32, #tpu.memory_space<hbm>>
      %dma_wait3A_29 = tpu.memref_slice %arg9[%mul3A_8] : memref<10240xf32, #tpu.memory_space<vmem_shared>> -> memref<640xf32, #tpu.memory_space<vmem_shared>>
      tpu.wait_dma2 semaphore(%run_scoped3A_25 : memref<!tpu.dma_semaphore, #tpu.memory_space<semaphore_mem>>) src(%dma_wait3A_29 : memref<640xf32, #tpu.memory_space<vmem_shared>>) dst(%dma_wait3A_28 : memref<640xf32, #tpu.memory_space<hbm>>)
      tpu.yield
    }) : () -> ()
    %run_scoped3A_24 = arith.constant 1 : i32
    "tpu.region"() ({
      %run_scoped3A_25 = tpu.sem_alloc : memref<!tpu.dma_semaphore, #tpu.memory_space<semaphore_mem>>
      %dma_start3A = tpu.memref_slice %arg4[%arg0, %run_scoped3A_24, %mul3A_8] : memref<2x2x10240xf32, #tpu.memory_space<hbm>> -> memref<1x1x640xf32, #tpu.memory_space<hbm>>
      %dma_start3A_26 = tpu.memref_squeeze %dma_start3A : memref<1x1x640xf32, #tpu.memory_space<hbm>> -> memref<640xf32, #tpu.memory_space<hbm>>
      %dma_start3A_27 = tpu.memref_slice %arg10[%mul3A_8] : memref<10240xf32, #tpu.memory_space<vmem_shared>> -> memref<640xf32, #tpu.memory_space<vmem_shared>>
      tpu.enqueue_dma source(%dma_start3A_27 : memref<640xf32, #tpu.memory_space<vmem_shared>>) target(%dma_start3A_26 : memref<640xf32, #tpu.memory_space<hbm>>) target_semaphore(%run_scoped3A_25 : memref<!tpu.dma_semaphore, #tpu.memory_space<semaphore_mem>>)
      %dma_wait3A = tpu.memref_slice %arg4[%arg0, %run_scoped3A_24, %mul3A_8] : memref<2x2x10240xf32, #tpu.memory_space<hbm>> -> memref<1x1x640xf32, #tpu.memory_space<hbm>>
      %dma_wait3A_28 = tpu.memref_squeeze %dma_wait3A : memref<1x1x640xf32, #tpu.memory_space<hbm>> -> memref<640xf32, #tpu.memory_space<hbm>>
      %dma_wait3A_29 = tpu.memref_slice %arg10[%mul3A_8] : memref<10240xf32, #tpu.memory_space<vmem_shared>> -> memref<640xf32, #tpu.memory_space<vmem_shared>>
      tpu.wait_dma2 semaphore(%run_scoped3A_25 : memref<!tpu.dma_semaphore, #tpu.memory_space<semaphore_mem>>) src(%dma_wait3A_29 : memref<640xf32, #tpu.memory_space<vmem_shared>>) dst(%dma_wait3A_28 : memref<640xf32, #tpu.memory_space<hbm>>)
      tpu.yield
    }) : () -> ()
    return
  }
}

#map = affine_map<(d0, d1) -> (0, 0)>
#map1 = affine_map<(d0, d1) -> (0, 0, 0)>
module attributes {stable_mosaic.version = 14 : i64} {
  func.func @agg_kernel(%arg0: i32, %arg1: i32, %arg2: memref<10240x128xf32, #tpu.memory_space<hbm>>, %arg3: memref<16x176x128xi32, #tpu.memory_space<hbm>>, %arg4: memref<16x176x128xi32, #tpu.memory_space<hbm>>, %arg5: memref<2x10240x128xf32, #tpu.memory_space<hbm>>, %arg6: memref<88x128xi32, #tpu.memory_space<vmem>>, %arg7: memref<88x128xi32, #tpu.memory_space<vmem>>, %arg8: memref<128x128xf32, #tpu.memory_space<vmem>>, %arg9: memref<10240x128xf32, #tpu.memory_space<vmem_shared>>) attributes {dimension_semantics = [#tpu.dimension_semantics<core_parallel>, #tpu.dimension_semantics<subcore_parallel>], iteration_bounds = array<i64: 2, 16>, scalar_prefetch = 0 : i64, scratch_operands = 4 : i64, tpu.core_type = #tpu.core_type<sc_vector_subcore>, window_params = [{transform_indices = #map}, {transform_indices = #map1}, {transform_indices = #map1}, {transform_indices = #map1}]} {
    %scan3A = arith.constant 0 : i32
    %scan3A_0 = arith.constant 0 : i32
    %scan3A_1 = arith.constant 1024 : i32
    %scan3A_2 = arith.addi %scan3A_0, %scan3A_1 : i32
    %scan3A_3 = arith.constant 1 : i32
    %scan3A_4 = scf.for %scan3A_30 = %scan3A_0 to %scan3A_2 step %scan3A_3 iter_args(%scan3A_31 = %scan3A) -> (i32)  : i32 {
      %broadcast_in_dim3A = arith.constant 0.000000e+00 : f32
      %broadcast_in_dim3A_32 = vector.broadcast %broadcast_in_dim3A : f32 to vector<16xf32>
      %jit3A_33 = arith.constant 8 : i32
      %div3A = arith.divsi %scan3A_30, %jit3A_33 : i32
      %sign3A = arith.constant 0 : i32
      %sign3A_34 = arith.cmpi sgt, %scan3A_30, %sign3A : i32
      %sign3A_35 = arith.extui %sign3A_34 : i1 to i32
      %sign3A_36 = arith.constant 0 : i32
      %sign3A_37 = arith.cmpi slt, %scan3A_30, %sign3A_36 : i32
      %sign3A_38 = arith.extui %sign3A_37 : i1 to i32
      %sign3A_39 = arith.subi %sign3A_35, %sign3A_38 : i32
      %sign3A_40 = arith.constant 0 : i32
      %sign3A_41 = arith.cmpi sgt, %jit3A_33, %sign3A_40 : i32
      %sign3A_42 = arith.extui %sign3A_41 : i1 to i32
      %sign3A_43 = arith.constant 0 : i32
      %sign3A_44 = arith.cmpi slt, %jit3A_33, %sign3A_43 : i32
      %sign3A_45 = arith.extui %sign3A_44 : i1 to i32
      %sign3A_46 = arith.subi %sign3A_42, %sign3A_45 : i32
      %ne3A = arith.cmpi ne, %sign3A_39, %sign3A_46 : i32
      %rem3A = arith.remsi %scan3A_30, %jit3A_33 : i32
      %ne3A_47 = arith.constant 0 : i32
      %ne3A_48 = arith.cmpi ne, %rem3A, %ne3A_47 : i32
      %and3A = arith.andi %ne3A, %ne3A_48 : i1
      %sub3A = arith.constant 1 : i32
      %sub3A_49 = arith.subi %div3A, %sub3A : i32
      %select_n3A_50 = arith.select %and3A, %sub3A_49, %div3A : i32
      %jit3A_51 = arith.constant 8 : i32
      %eq3A_52 = arith.constant 0 : i32
      %eq3A_53 = arith.cmpi eq, %jit3A_51, %eq3A_52 : i32
      %jit3A_54 = arith.constant 1 : i32
      %select_n3A_55 = arith.select %eq3A_53, %jit3A_54, %jit3A_51 : i32
      %rem3A_56 = arith.remsi %scan3A_30, %select_n3A_55 : i32
      %ne3A_57 = arith.constant 0 : i32
      %ne3A_58 = arith.cmpi ne, %rem3A_56, %ne3A_57 : i32
      %lt3A = arith.constant 0 : i32
      %lt3A_59 = arith.cmpi slt, %rem3A_56, %lt3A : i32
      %lt3A_60 = arith.constant 0 : i32
      %lt3A_61 = arith.cmpi slt, %select_n3A_55, %lt3A_60 : i32
      %ne3A_62 = arith.xori %lt3A_59, %lt3A_61 : i1
      %and3A_63 = arith.andi %ne3A_62, %ne3A_58 : i1
      %add3A = arith.addi %rem3A_56, %select_n3A_55 : i32
      %select_n3A_64 = arith.select %and3A_63, %add3A, %rem3A_56 : i32
      %mul3A_65 = arith.constant 16 : i32
      %mul3A_66 = arith.muli %select_n3A_64, %mul3A_65 : i32
      %swap3A = arith.index_cast %select_n3A_50 : i32 to index
      %swap3A_67 = arith.index_cast %mul3A_66 : i32 to index
      %swap3A_68 = tpu.vector_load %arg8[%swap3A, %swap3A_67] {strides = array<i32>} : memref<128x128xf32, #tpu.memory_space<vmem>>, vector<1x16xf32>,
      %swap3A_69 = vector.shape_cast %swap3A_68 : vector<1x16xf32> to vector<16xf32>
      %swap3A_70 = vector.shape_cast %broadcast_in_dim3A_32 : vector<16xf32> to vector<1x16xf32>
      tpu.vector_store %arg8[%swap3A, %swap3A_67], %swap3A_70 {strides = array<i32>} : memref<128x128xf32, #tpu.memory_space<vmem>>, vector<1x16xf32>,
      %scan3A_71 = arith.constant 0 : i32
      scf.yield %scan3A_71 : i32
    }
    %scan3A_5 = arith.constant 1024 : i32
    %mul3A = arith.constant 640 : i32
    %mul3A_6 = arith.muli %arg1, %mul3A : i32
    %scan3A_7 = arith.constant 0 : i32
    %scan3A_8 = arith.constant 0 : i32
    %scan3A_9 = arith.constant 5 : i32
    %scan3A_10 = arith.addi %scan3A_8, %scan3A_9 : i32
    %scan3A_11 = arith.constant 1 : i32
    %scan3A_12 = scf.for %scan3A_30 = %scan3A_8 to %scan3A_10 step %scan3A_11 iter_args(%scan3A_31 = %scan3A_7) -> (i32)  : i32 {
      %mul3A_32 = arith.constant 128 : i32
      %mul3A_33 = arith.muli %scan3A_30, %mul3A_32 : i32
      %add3A = arith.addi %mul3A_6, %mul3A_33 : i32
      "tpu.region"() ({
        %run_scoped3A = tpu.sem_alloc : memref<!tpu.dma_semaphore, #tpu.memory_space<semaphore_mem>>
        %dma_start3A = arith.constant 0 : i32
        %dma_start3A_35 = tpu.memref_slice %arg9[%add3A, %dma_start3A] : memref<10240x128xf32, #tpu.memory_space<vmem_shared>> -> memref<128x128xf32, #tpu.memory_space<vmem_shared>>
        %dma_start3A_36 = arith.constant 0 : i32
        %dma_start3A_37 = tpu.memref_slice %arg9[%add3A, %dma_start3A_36] : memref<10240x128xf32, #tpu.memory_space<vmem_shared>> -> memref<128x128xf32, #tpu.memory_space<vmem_shared>>
        tpu.enqueue_dma source(%arg8 : memref<128x128xf32, #tpu.memory_space<vmem>>) target(%dma_start3A_37 : memref<128x128xf32, #tpu.memory_space<vmem_shared>>) target_semaphore(%run_scoped3A : memref<!tpu.dma_semaphore, #tpu.memory_space<semaphore_mem>>)
        %dma_wait3A = arith.constant 0 : i32
        %dma_wait3A_38 = tpu.memref_slice %arg9[%add3A, %dma_wait3A] : memref<10240x128xf32, #tpu.memory_space<vmem_shared>> -> memref<128x128xf32, #tpu.memory_space<vmem_shared>>
        %dma_wait3A_39 = arith.constant 0 : i32
        %dma_wait3A_40 = tpu.memref_slice %arg9[%add3A, %dma_wait3A_39] : memref<10240x128xf32, #tpu.memory_space<vmem_shared>> -> memref<128x128xf32, #tpu.memory_space<vmem_shared>>
        tpu.wait_dma2 semaphore(%run_scoped3A : memref<!tpu.dma_semaphore, #tpu.memory_space<semaphore_mem>>) src(%arg8 : memref<128x128xf32, #tpu.memory_space<vmem>>) dst(%dma_wait3A_40 : memref<128x128xf32, #tpu.memory_space<vmem_shared>>)
        tpu.yield
      }) : () -> ()
      %scan3A_34 = arith.constant 0 : i32
      scf.yield %scan3A_34 : i32
    }
    %scan3A_13 = arith.constant 5 : i32
    %barrier3A = arith.constant 0 : index
    tpu.barrier barrier_id(%barrier3A)
    %mul3A_14 = arith.constant 88 : i32
    %mul3A_15 = arith.muli %arg0, %mul3A_14 : i32
    "tpu.region"() ({
      %run_scoped3A = tpu.sem_alloc : memref<!tpu.dma_semaphore, #tpu.memory_space<semaphore_mem>>
      %dma_start3A = arith.constant 0 : i32
      %dma_start3A_30 = tpu.memref_slice %arg3[%arg1, %mul3A_15, %dma_start3A] : memref<16x176x128xi32, #tpu.memory_space<hbm>> -> memref<1x88x128xi32, #tpu.memory_space<hbm>>
      %dma_start3A_31 = tpu.memref_squeeze %dma_start3A_30 : memref<1x88x128xi32, #tpu.memory_space<hbm>> -> memref<88x128xi32, #tpu.memory_space<hbm>>
      %dma_start3A_32 = arith.constant 0 : i32
      %dma_start3A_33 = tpu.memref_slice %arg3[%arg1, %mul3A_15, %dma_start3A_32] : memref<16x176x128xi32, #tpu.memory_space<hbm>> -> memref<1x88x128xi32, #tpu.memory_space<hbm>>
      %dma_start3A_34 = tpu.memref_squeeze %dma_start3A_33 : memref<1x88x128xi32, #tpu.memory_space<hbm>> -> memref<88x128xi32, #tpu.memory_space<hbm>>
      tpu.enqueue_dma source(%dma_start3A_34 : memref<88x128xi32, #tpu.memory_space<hbm>>) target(%arg6 : memref<88x128xi32, #tpu.memory_space<vmem>>) target_semaphore(%run_scoped3A : memref<!tpu.dma_semaphore, #tpu.memory_space<semaphore_mem>>)
      %dma_wait3A = arith.constant 0 : i32
      %dma_wait3A_35 = tpu.memref_slice %arg3[%arg1, %mul3A_15, %dma_wait3A] : memref<16x176x128xi32, #tpu.memory_space<hbm>> -> memref<1x88x128xi32, #tpu.memory_space<hbm>>
      %dma_wait3A_36 = tpu.memref_squeeze %dma_wait3A_35 : memref<1x88x128xi32, #tpu.memory_space<hbm>> -> memref<88x128xi32, #tpu.memory_space<hbm>>
      %dma_wait3A_37 = arith.constant 0 : i32
      %dma_wait3A_38 = tpu.memref_slice %arg3[%arg1, %mul3A_15, %dma_wait3A_37] : memref<16x176x128xi32, #tpu.memory_space<hbm>> -> memref<1x88x128xi32, #tpu.memory_space<hbm>>
      %dma_wait3A_39 = tpu.memref_squeeze %dma_wait3A_38 : memref<1x88x128xi32, #tpu.memory_space<hbm>> -> memref<88x128xi32, #tpu.memory_space<hbm>>
      tpu.wait_dma2 semaphore(%run_scoped3A : memref<!tpu.dma_semaphore, #tpu.memory_space<semaphore_mem>>) src(%dma_wait3A_39 : memref<88x128xi32, #tpu.memory_space<hbm>>) dst(%arg6 : memref<88x128xi32, #tpu.memory_space<vmem>>)
      tpu.yield
    }) : () -> ()
    "tpu.region"() ({
      %run_scoped3A = tpu.sem_alloc : memref<!tpu.dma_semaphore, #tpu.memory_space<semaphore_mem>>
      %dma_start3A = arith.constant 0 : i32
      %dma_start3A_30 = tpu.memref_slice %arg4[%arg1, %mul3A_15, %dma_start3A] : memref<16x176x128xi32, #tpu.memory_space<hbm>> -> memref<1x88x128xi32, #tpu.memory_space<hbm>>
      %dma_start3A_31 = tpu.memref_squeeze %dma_start3A_30 : memref<1x88x128xi32, #tpu.memory_space<hbm>> -> memref<88x128xi32, #tpu.memory_space<hbm>>
      %dma_start3A_32 = arith.constant 0 : i32
      %dma_start3A_33 = tpu.memref_slice %arg4[%arg1, %mul3A_15, %dma_start3A_32] : memref<16x176x128xi32, #tpu.memory_space<hbm>> -> memref<1x88x128xi32, #tpu.memory_space<hbm>>
      %dma_start3A_34 = tpu.memref_squeeze %dma_start3A_33 : memref<1x88x128xi32, #tpu.memory_space<hbm>> -> memref<88x128xi32, #tpu.memory_space<hbm>>
      tpu.enqueue_dma source(%dma_start3A_34 : memref<88x128xi32, #tpu.memory_space<hbm>>) target(%arg7 : memref<88x128xi32, #tpu.memory_space<vmem>>) target_semaphore(%run_scoped3A : memref<!tpu.dma_semaphore, #tpu.memory_space<semaphore_mem>>)
      %dma_wait3A = arith.constant 0 : i32
      %dma_wait3A_35 = tpu.memref_slice %arg4[%arg1, %mul3A_15, %dma_wait3A] : memref<16x176x128xi32, #tpu.memory_space<hbm>> -> memref<1x88x128xi32, #tpu.memory_space<hbm>>
      %dma_wait3A_36 = tpu.memref_squeeze %dma_wait3A_35 : memref<1x88x128xi32, #tpu.memory_space<hbm>> -> memref<88x128xi32, #tpu.memory_space<hbm>>
      %dma_wait3A_37 = arith.constant 0 : i32
      %dma_wait3A_38 = tpu.memref_slice %arg4[%arg1, %mul3A_15, %dma_wait3A_37] : memref<16x176x128xi32, #tpu.memory_space<hbm>> -> memref<1x88x128xi32, #tpu.memory_space<hbm>>
      %dma_wait3A_39 = tpu.memref_squeeze %dma_wait3A_38 : memref<1x88x128xi32, #tpu.memory_space<hbm>> -> memref<88x128xi32, #tpu.memory_space<hbm>>
      tpu.wait_dma2 semaphore(%run_scoped3A : memref<!tpu.dma_semaphore, #tpu.memory_space<semaphore_mem>>) src(%dma_wait3A_39 : memref<88x128xi32, #tpu.memory_space<hbm>>) dst(%arg7 : memref<88x128xi32, #tpu.memory_space<vmem>>)
      tpu.yield
    }) : () -> ()
    %eq3A = arith.constant 0 : i32
    %eq3A_16 = arith.cmpi eq, %arg0, %eq3A : i32
    %jit3A = arith.constant 87 : i32
    %jit3A_17 = arith.constant 70 : i32
    %select_n3A = arith.select %eq3A_16, %jit3A, %jit3A_17 : i32
    %while3A = arith.constant 0 : i32
    %while3A_18 = arith.constant 0 : i32
    %while3A_19 = arith.subi %select_n3A, %while3A : i32
    %while3A_20 = arith.addi %while3A, %while3A_19 : i32
    %while3A_21 = arith.constant 1 : i32
    %while3A_22 = arith.divsi %while3A_19, %while3A_21 : i32
    %while3A_23 = arith.muli %while3A_22, %while3A_21 : i32
    %while3A_24 = arith.addi %while3A, %while3A_23 : i32
    %while3A_25 = arith.constant 1 : i32
    %while3A_26 = scf.for %while3A_30 = %while3A to %while3A_24 step %while3A_25 iter_args(%while3A_31 = %while3A_18) -> (i32)  : i32 {
      "tpu.region"() ({
        %run_scoped3A = tpu.sem_alloc : memref<!tpu.dma_semaphore, #tpu.memory_space<semaphore_mem>>
        %dma_start3A = arith.constant 0 : i32
        %dma_start3A_33 = tpu.memref_slice %arg6[%while3A_30, %dma_start3A] : memref<88x128xi32, #tpu.memory_space<vmem>> -> memref<1x128xi32, #tpu.memory_space<vmem>>
        %dma_start3A_34 = tpu.memref_squeeze %dma_start3A_33 : memref<1x128xi32, #tpu.memory_space<vmem>> -> memref<128xi32, #tpu.memory_space<vmem>>
        %dma_start3A_35 = arith.constant 0 : i32
        %dma_start3A_36 = arith.constant 0 : i32
        %dma_start3A_37 = tpu.memref_slice %arg2[%dma_start3A_35, %dma_start3A_36] : memref<10240x128xf32, #tpu.memory_space<hbm>> -> memref<10240x128xf32, #tpu.memory_space<hbm>>
        tpu.enqueue_indirect_dma source(%dma_start3A_37 : memref<10240x128xf32, #tpu.memory_space<hbm>>) target(%arg8 : memref<128x128xf32, #tpu.memory_space<vmem>>) offsets(%dma_start3A_34 : memref<128xi32, #tpu.memory_space<vmem>>) semaphore(%run_scoped3A : memref<!tpu.dma_semaphore, #tpu.memory_space<semaphore_mem>>)
        %dma_wait3A = arith.constant 0 : i32
        %dma_wait3A_38 = tpu.memref_slice %arg6[%while3A_30, %dma_wait3A] : memref<88x128xi32, #tpu.memory_space<vmem>> -> memref<1x128xi32, #tpu.memory_space<vmem>>
        %dma_wait3A_39 = tpu.memref_squeeze %dma_wait3A_38 : memref<1x128xi32, #tpu.memory_space<vmem>> -> memref<128xi32, #tpu.memory_space<vmem>>
        %dma_wait3A_40 = arith.constant 0 : i32
        %dma_wait3A_41 = arith.constant 0 : i32
        %dma_wait3A_42 = tpu.memref_slice %arg2[%dma_wait3A_40, %dma_wait3A_41] : memref<10240x128xf32, #tpu.memory_space<hbm>> -> memref<10240x128xf32, #tpu.memory_space<hbm>>
        tpu.wait_indirect_dma semaphore(%run_scoped3A : memref<!tpu.dma_semaphore, #tpu.memory_space<semaphore_mem>>) src(%dma_wait3A_42 : memref<10240x128xf32, #tpu.memory_space<hbm>>) dst(%arg8 : memref<128x128xf32, #tpu.memory_space<vmem>>)
        tpu.yield
      }) : () -> ()
      "tpu.region"() ({
        %run_scoped3A = tpu.sem_alloc : memref<!tpu.dma_semaphore, #tpu.memory_space<semaphore_mem>>
        %dma_start3A = arith.constant 0 : i32
        %dma_start3A_33 = tpu.memref_slice %arg7[%while3A_30, %dma_start3A] : memref<88x128xi32, #tpu.memory_space<vmem>> -> memref<1x128xi32, #tpu.memory_space<vmem>>
        %dma_start3A_34 = tpu.memref_squeeze %dma_start3A_33 : memref<1x128xi32, #tpu.memory_space<vmem>> -> memref<128xi32, #tpu.memory_space<vmem>>
        %dma_start3A_35 = arith.constant 0 : i32
        %dma_start3A_36 = arith.constant 0 : i32
        %dma_start3A_37 = tpu.memref_slice %arg9[%dma_start3A_35, %dma_start3A_36] : memref<10240x128xf32, #tpu.memory_space<vmem_shared>> -> memref<10240x128xf32, #tpu.memory_space<vmem_shared>>
        tpu.enqueue_indirect_dma source(%arg8 : memref<128x128xf32, #tpu.memory_space<vmem>>) target(%dma_start3A_37 : memref<10240x128xf32, #tpu.memory_space<vmem_shared>>) offsets(%dma_start3A_34 : memref<128xi32, #tpu.memory_space<vmem>>) semaphore(%run_scoped3A : memref<!tpu.dma_semaphore, #tpu.memory_space<semaphore_mem>>) {add = true}
        %dma_wait3A = arith.constant 0 : i32
        %dma_wait3A_38 = tpu.memref_slice %arg7[%while3A_30, %dma_wait3A] : memref<88x128xi32, #tpu.memory_space<vmem>> -> memref<1x128xi32, #tpu.memory_space<vmem>>
        %dma_wait3A_39 = tpu.memref_squeeze %dma_wait3A_38 : memref<1x128xi32, #tpu.memory_space<vmem>> -> memref<128xi32, #tpu.memory_space<vmem>>
        %dma_wait3A_40 = arith.constant 0 : i32
        %dma_wait3A_41 = arith.constant 0 : i32
        %dma_wait3A_42 = tpu.memref_slice %arg9[%dma_wait3A_40, %dma_wait3A_41] : memref<10240x128xf32, #tpu.memory_space<vmem_shared>> -> memref<10240x128xf32, #tpu.memory_space<vmem_shared>>
        tpu.wait_indirect_dma semaphore(%run_scoped3A : memref<!tpu.dma_semaphore, #tpu.memory_space<semaphore_mem>>) src(%arg8 : memref<128x128xf32, #tpu.memory_space<vmem>>) dst(%dma_wait3A_42 : memref<10240x128xf32, #tpu.memory_space<vmem_shared>>)
        tpu.yield
      }) : () -> ()
      %while3A_32 = arith.constant 0 : i32
      scf.yield %while3A_32 : i32
    }
    %while3A_27 = arith.constant 1 : i32
    %while3A_28 = scf.for %while3A_30 = %while3A_24 to %while3A_20 step %while3A_27 iter_args(%while3A_31 = %while3A_26) -> (i32)  : i32 {
      "tpu.region"() ({
        %run_scoped3A = tpu.sem_alloc : memref<!tpu.dma_semaphore, #tpu.memory_space<semaphore_mem>>
        %dma_start3A = arith.constant 0 : i32
        %dma_start3A_33 = tpu.memref_slice %arg6[%while3A_30, %dma_start3A] : memref<88x128xi32, #tpu.memory_space<vmem>> -> memref<1x128xi32, #tpu.memory_space<vmem>>
        %dma_start3A_34 = tpu.memref_squeeze %dma_start3A_33 : memref<1x128xi32, #tpu.memory_space<vmem>> -> memref<128xi32, #tpu.memory_space<vmem>>
        %dma_start3A_35 = arith.constant 0 : i32
        %dma_start3A_36 = arith.constant 0 : i32
        %dma_start3A_37 = tpu.memref_slice %arg2[%dma_start3A_35, %dma_start3A_36] : memref<10240x128xf32, #tpu.memory_space<hbm>> -> memref<10240x128xf32, #tpu.memory_space<hbm>>
        tpu.enqueue_indirect_dma source(%dma_start3A_37 : memref<10240x128xf32, #tpu.memory_space<hbm>>) target(%arg8 : memref<128x128xf32, #tpu.memory_space<vmem>>) offsets(%dma_start3A_34 : memref<128xi32, #tpu.memory_space<vmem>>) semaphore(%run_scoped3A : memref<!tpu.dma_semaphore, #tpu.memory_space<semaphore_mem>>)
        %dma_wait3A = arith.constant 0 : i32
        %dma_wait3A_38 = tpu.memref_slice %arg6[%while3A_30, %dma_wait3A] : memref<88x128xi32, #tpu.memory_space<vmem>> -> memref<1x128xi32, #tpu.memory_space<vmem>>
        %dma_wait3A_39 = tpu.memref_squeeze %dma_wait3A_38 : memref<1x128xi32, #tpu.memory_space<vmem>> -> memref<128xi32, #tpu.memory_space<vmem>>
        %dma_wait3A_40 = arith.constant 0 : i32
        %dma_wait3A_41 = arith.constant 0 : i32
        %dma_wait3A_42 = tpu.memref_slice %arg2[%dma_wait3A_40, %dma_wait3A_41] : memref<10240x128xf32, #tpu.memory_space<hbm>> -> memref<10240x128xf32, #tpu.memory_space<hbm>>
        tpu.wait_indirect_dma semaphore(%run_scoped3A : memref<!tpu.dma_semaphore, #tpu.memory_space<semaphore_mem>>) src(%dma_wait3A_42 : memref<10240x128xf32, #tpu.memory_space<hbm>>) dst(%arg8 : memref<128x128xf32, #tpu.memory_space<vmem>>)
        tpu.yield
      }) : () -> ()
      "tpu.region"() ({
        %run_scoped3A = tpu.sem_alloc : memref<!tpu.dma_semaphore, #tpu.memory_space<semaphore_mem>>
        %dma_start3A = arith.constant 0 : i32
        %dma_start3A_33 = tpu.memref_slice %arg7[%while3A_30, %dma_start3A] : memref<88x128xi32, #tpu.memory_space<vmem>> -> memref<1x128xi32, #tpu.memory_space<vmem>>
        %dma_start3A_34 = tpu.memref_squeeze %dma_start3A_33 : memref<1x128xi32, #tpu.memory_space<vmem>> -> memref<128xi32, #tpu.memory_space<vmem>>
        %dma_start3A_35 = arith.constant 0 : i32
        %dma_start3A_36 = arith.constant 0 : i32
        %dma_start3A_37 = tpu.memref_slice %arg9[%dma_start3A_35, %dma_start3A_36] : memref<10240x128xf32, #tpu.memory_space<vmem_shared>> -> memref<10240x128xf32, #tpu.memory_space<vmem_shared>>
        tpu.enqueue_indirect_dma source(%arg8 : memref<128x128xf32, #tpu.memory_space<vmem>>) target(%dma_start3A_37 : memref<10240x128xf32, #tpu.memory_space<vmem_shared>>) offsets(%dma_start3A_34 : memref<128xi32, #tpu.memory_space<vmem>>) semaphore(%run_scoped3A : memref<!tpu.dma_semaphore, #tpu.memory_space<semaphore_mem>>) {add = true}
        %dma_wait3A = arith.constant 0 : i32
        %dma_wait3A_38 = tpu.memref_slice %arg7[%while3A_30, %dma_wait3A] : memref<88x128xi32, #tpu.memory_space<vmem>> -> memref<1x128xi32, #tpu.memory_space<vmem>>
        %dma_wait3A_39 = tpu.memref_squeeze %dma_wait3A_38 : memref<1x128xi32, #tpu.memory_space<vmem>> -> memref<128xi32, #tpu.memory_space<vmem>>
        %dma_wait3A_40 = arith.constant 0 : i32
        %dma_wait3A_41 = arith.constant 0 : i32
        %dma_wait3A_42 = tpu.memref_slice %arg9[%dma_wait3A_40, %dma_wait3A_41] : memref<10240x128xf32, #tpu.memory_space<vmem_shared>> -> memref<10240x128xf32, #tpu.memory_space<vmem_shared>>
        tpu.wait_indirect_dma semaphore(%run_scoped3A : memref<!tpu.dma_semaphore, #tpu.memory_space<semaphore_mem>>) src(%arg8 : memref<128x128xf32, #tpu.memory_space<vmem>>) dst(%dma_wait3A_42 : memref<10240x128xf32, #tpu.memory_space<vmem_shared>>)
        tpu.yield
      }) : () -> ()
      %while3A_32 = arith.constant 0 : i32
      scf.yield %while3A_32 : i32
    }
    %barrier3A_29 = arith.constant 0 : index
    tpu.barrier barrier_id(%barrier3A_29)
    "tpu.region"() ({
      %run_scoped3A = tpu.sem_alloc : memref<!tpu.dma_semaphore, #tpu.memory_space<semaphore_mem>>
      %dma_start3A = arith.constant 0 : i32
      %dma_start3A_30 = tpu.memref_slice %arg5[%arg0, %mul3A_6, %dma_start3A] : memref<2x10240x128xf32, #tpu.memory_space<hbm>> -> memref<1x640x128xf32, #tpu.memory_space<hbm>>
      %dma_start3A_31 = tpu.memref_squeeze %dma_start3A_30 : memref<1x640x128xf32, #tpu.memory_space<hbm>> -> memref<640x128xf32, #tpu.memory_space<hbm>>
      %dma_start3A_32 = arith.constant 0 : i32
      %dma_start3A_33 = tpu.memref_slice %arg9[%mul3A_6, %dma_start3A_32] : memref<10240x128xf32, #tpu.memory_space<vmem_shared>> -> memref<640x128xf32, #tpu.memory_space<vmem_shared>>
      tpu.enqueue_dma source(%dma_start3A_33 : memref<640x128xf32, #tpu.memory_space<vmem_shared>>) target(%dma_start3A_31 : memref<640x128xf32, #tpu.memory_space<hbm>>) target_semaphore(%run_scoped3A : memref<!tpu.dma_semaphore, #tpu.memory_space<semaphore_mem>>)
      %dma_wait3A = arith.constant 0 : i32
      %dma_wait3A_34 = tpu.memref_slice %arg5[%arg0, %mul3A_6, %dma_wait3A] : memref<2x10240x128xf32, #tpu.memory_space<hbm>> -> memref<1x640x128xf32, #tpu.memory_space<hbm>>
      %dma_wait3A_35 = tpu.memref_squeeze %dma_wait3A_34 : memref<1x640x128xf32, #tpu.memory_space<hbm>> -> memref<640x128xf32, #tpu.memory_space<hbm>>
      %dma_wait3A_36 = arith.constant 0 : i32
      %dma_wait3A_37 = tpu.memref_slice %arg9[%mul3A_6, %dma_wait3A_36] : memref<10240x128xf32, #tpu.memory_space<vmem_shared>> -> memref<640x128xf32, #tpu.memory_space<vmem_shared>>
      tpu.wait_dma2 semaphore(%run_scoped3A : memref<!tpu.dma_semaphore, #tpu.memory_space<semaphore_mem>>) src(%dma_wait3A_37 : memref<640x128xf32, #tpu.memory_space<vmem_shared>>) dst(%dma_wait3A_35 : memref<640x128xf32, #tpu.memory_space<hbm>>)
      tpu.yield
    }) : () -> ()
    return
  }
}

#map = affine_map<(d0, d1) -> (0, 0)>
#map1 = affine_map<(d0, d1) -> (0, 0, 0)>
module attributes {stable_mosaic.version = 14 : i64} {
  func.func @agg_kernel(%arg0: i32, %arg1: i32, %arg2: memref<10240x128xf32, #tpu.memory_space<hbm>>, %arg3: memref<16x176x128xi32, #tpu.memory_space<hbm>>, %arg4: memref<16x176x128xi32, #tpu.memory_space<hbm>>, %arg5: memref<2x10240x128xf32, #tpu.memory_space<hbm>>, %arg6: memref<88x128xi32, #tpu.memory_space<vmem>>, %arg7: memref<88x128xi32, #tpu.memory_space<vmem>>, %arg8: memref<128x128xf32, #tpu.memory_space<vmem>>, %arg9: memref<10240x128xf32, #tpu.memory_space<vmem_shared>>) attributes {dimension_semantics = [#tpu.dimension_semantics<core_parallel>, #tpu.dimension_semantics<subcore_parallel>], iteration_bounds = array<i64: 2, 16>, scalar_prefetch = 0 : i64, scratch_operands = 4 : i64, tpu.core_type = #tpu.core_type<sc_vector_subcore>, window_params = [{transform_indices = #map}, {transform_indices = #map1}, {transform_indices = #map1}, {transform_indices = #map1}]} {
    %scan3A = arith.constant 0 : i32
    %scan3A_0 = arith.constant 0 : i32
    %scan3A_1 = arith.constant 1024 : i32
    %scan3A_2 = arith.addi %scan3A_0, %scan3A_1 : i32
    %scan3A_3 = arith.constant 1 : i32
    %scan3A_4 = scf.for %scan3A_30 = %scan3A_0 to %scan3A_2 step %scan3A_3 iter_args(%scan3A_31 = %scan3A) -> (i32)  : i32 {
      %broadcast_in_dim3A = arith.constant 0.000000e+00 : f32
      %broadcast_in_dim3A_32 = vector.broadcast %broadcast_in_dim3A : f32 to vector<16xf32>
      %jit3A_33 = arith.constant 8 : i32
      %div3A = arith.divsi %scan3A_30, %jit3A_33 : i32
      %sign3A = arith.constant 0 : i32
      %sign3A_34 = arith.cmpi sgt, %scan3A_30, %sign3A : i32
      %sign3A_35 = arith.extui %sign3A_34 : i1 to i32
      %sign3A_36 = arith.constant 0 : i32
      %sign3A_37 = arith.cmpi slt, %scan3A_30, %sign3A_36 : i32
      %sign3A_38 = arith.extui %sign3A_37 : i1 to i32
      %sign3A_39 = arith.subi %sign3A_35, %sign3A_38 : i32
      %sign3A_40 = arith.constant 0 : i32
      %sign3A_41 = arith.cmpi sgt, %jit3A_33, %sign3A_40 : i32
      %sign3A_42 = arith.extui %sign3A_41 : i1 to i32
      %sign3A_43 = arith.constant 0 : i32
      %sign3A_44 = arith.cmpi slt, %jit3A_33, %sign3A_43 : i32
      %sign3A_45 = arith.extui %sign3A_44 : i1 to i32
      %sign3A_46 = arith.subi %sign3A_42, %sign3A_45 : i32
      %ne3A = arith.cmpi ne, %sign3A_39, %sign3A_46 : i32
      %rem3A = arith.remsi %scan3A_30, %jit3A_33 : i32
      %ne3A_47 = arith.constant 0 : i32
      %ne3A_48 = arith.cmpi ne, %rem3A, %ne3A_47 : i32
      %and3A = arith.andi %ne3A, %ne3A_48 : i1
      %sub3A = arith.constant 1 : i32
      %sub3A_49 = arith.subi %div3A, %sub3A : i32
      %select_n3A_50 = arith.select %and3A, %sub3A_49, %div3A : i32
      %jit3A_51 = arith.constant 8 : i32
      %eq3A_52 = arith.constant 0 : i32
      %eq3A_53 = arith.cmpi eq, %jit3A_51, %eq3A_52 : i32
      %jit3A_54 = arith.constant 1 : i32
      %select_n3A_55 = arith.select %eq3A_53, %jit3A_54, %jit3A_51 : i32
      %rem3A_56 = arith.remsi %scan3A_30, %select_n3A_55 : i32
      %ne3A_57 = arith.constant 0 : i32
      %ne3A_58 = arith.cmpi ne, %rem3A_56, %ne3A_57 : i32
      %lt3A = arith.constant 0 : i32
      %lt3A_59 = arith.cmpi slt, %rem3A_56, %lt3A : i32
      %lt3A_60 = arith.constant 0 : i32
      %lt3A_61 = arith.cmpi slt, %select_n3A_55, %lt3A_60 : i32
      %ne3A_62 = arith.xori %lt3A_59, %lt3A_61 : i1
      %and3A_63 = arith.andi %ne3A_62, %ne3A_58 : i1
      %add3A = arith.addi %rem3A_56, %select_n3A_55 : i32
      %select_n3A_64 = arith.select %and3A_63, %add3A, %rem3A_56 : i32
      %mul3A_65 = arith.constant 16 : i32
      %mul3A_66 = arith.muli %select_n3A_64, %mul3A_65 : i32
      %swap3A = arith.index_cast %select_n3A_50 : i32 to index
      %swap3A_67 = arith.index_cast %mul3A_66 : i32 to index
      %swap3A_68 = tpu.vector_load %arg8[%swap3A, %swap3A_67] {strides = array<i32>} : memref<128x128xf32, #tpu.memory_space<vmem>>, vector<1x16xf32>,
      %swap3A_69 = vector.shape_cast %swap3A_68 : vector<1x16xf32> to vector<16xf32>
      %swap3A_70 = vector.shape_cast %broadcast_in_dim3A_32 : vector<16xf32> to vector<1x16xf32>
      tpu.vector_store %arg8[%swap3A, %swap3A_67], %swap3A_70 {strides = array<i32>} : memref<128x128xf32, #tpu.memory_space<vmem>>, vector<1x16xf32>,
      %scan3A_71 = arith.constant 0 : i32
      scf.yield %scan3A_71 : i32
    }
    %scan3A_5 = arith.constant 1024 : i32
    %mul3A = arith.constant 640 : i32
    %mul3A_6 = arith.muli %arg1, %mul3A : i32
    %scan3A_7 = arith.constant 0 : i32
    %scan3A_8 = arith.constant 0 : i32
    %scan3A_9 = arith.constant 5 : i32
    %scan3A_10 = arith.addi %scan3A_8, %scan3A_9 : i32
    %scan3A_11 = arith.constant 1 : i32
    %scan3A_12 = scf.for %scan3A_30 = %scan3A_8 to %scan3A_10 step %scan3A_11 iter_args(%scan3A_31 = %scan3A_7) -> (i32)  : i32 {
      %mul3A_32 = arith.constant 128 : i32
      %mul3A_33 = arith.muli %scan3A_30, %mul3A_32 : i32
      %add3A = arith.addi %mul3A_6, %mul3A_33 : i32
      "tpu.region"() ({
        %run_scoped3A = tpu.sem_alloc : memref<!tpu.dma_semaphore, #tpu.memory_space<semaphore_mem>>
        %dma_start3A = arith.constant 0 : i32
        %dma_start3A_35 = tpu.memref_slice %arg9[%add3A, %dma_start3A] : memref<10240x128xf32, #tpu.memory_space<vmem_shared>> -> memref<128x128xf32, #tpu.memory_space<vmem_shared>>
        %dma_start3A_36 = arith.constant 0 : i32
        %dma_start3A_37 = tpu.memref_slice %arg9[%add3A, %dma_start3A_36] : memref<10240x128xf32, #tpu.memory_space<vmem_shared>> -> memref<128x128xf32, #tpu.memory_space<vmem_shared>>
        tpu.enqueue_dma source(%arg8 : memref<128x128xf32, #tpu.memory_space<vmem>>) target(%dma_start3A_37 : memref<128x128xf32, #tpu.memory_space<vmem_shared>>) target_semaphore(%run_scoped3A : memref<!tpu.dma_semaphore, #tpu.memory_space<semaphore_mem>>)
        %dma_wait3A = arith.constant 0 : i32
        %dma_wait3A_38 = tpu.memref_slice %arg9[%add3A, %dma_wait3A] : memref<10240x128xf32, #tpu.memory_space<vmem_shared>> -> memref<128x128xf32, #tpu.memory_space<vmem_shared>>
        %dma_wait3A_39 = arith.constant 0 : i32
        %dma_wait3A_40 = tpu.memref_slice %arg9[%add3A, %dma_wait3A_39] : memref<10240x128xf32, #tpu.memory_space<vmem_shared>> -> memref<128x128xf32, #tpu.memory_space<vmem_shared>>
        tpu.wait_dma2 semaphore(%run_scoped3A : memref<!tpu.dma_semaphore, #tpu.memory_space<semaphore_mem>>) src(%arg8 : memref<128x128xf32, #tpu.memory_space<vmem>>) dst(%dma_wait3A_40 : memref<128x128xf32, #tpu.memory_space<vmem_shared>>)
        tpu.yield
      }) : () -> ()
      %scan3A_34 = arith.constant 0 : i32
      scf.yield %scan3A_34 : i32
    }
    %scan3A_13 = arith.constant 5 : i32
    %barrier3A = arith.constant 0 : index
    tpu.barrier barrier_id(%barrier3A)
    %mul3A_14 = arith.constant 88 : i32
    %mul3A_15 = arith.muli %arg0, %mul3A_14 : i32
    "tpu.region"() ({
      %run_scoped3A = tpu.sem_alloc : memref<!tpu.dma_semaphore, #tpu.memory_space<semaphore_mem>>
      %dma_start3A = arith.constant 0 : i32
      %dma_start3A_30 = tpu.memref_slice %arg3[%arg1, %mul3A_15, %dma_start3A] : memref<16x176x128xi32, #tpu.memory_space<hbm>> -> memref<1x88x128xi32, #tpu.memory_space<hbm>>
      %dma_start3A_31 = tpu.memref_squeeze %dma_start3A_30 : memref<1x88x128xi32, #tpu.memory_space<hbm>> -> memref<88x128xi32, #tpu.memory_space<hbm>>
      %dma_start3A_32 = arith.constant 0 : i32
      %dma_start3A_33 = tpu.memref_slice %arg3[%arg1, %mul3A_15, %dma_start3A_32] : memref<16x176x128xi32, #tpu.memory_space<hbm>> -> memref<1x88x128xi32, #tpu.memory_space<hbm>>
      %dma_start3A_34 = tpu.memref_squeeze %dma_start3A_33 : memref<1x88x128xi32, #tpu.memory_space<hbm>> -> memref<88x128xi32, #tpu.memory_space<hbm>>
      tpu.enqueue_dma source(%dma_start3A_34 : memref<88x128xi32, #tpu.memory_space<hbm>>) target(%arg6 : memref<88x128xi32, #tpu.memory_space<vmem>>) target_semaphore(%run_scoped3A : memref<!tpu.dma_semaphore, #tpu.memory_space<semaphore_mem>>)
      %dma_wait3A = arith.constant 0 : i32
      %dma_wait3A_35 = tpu.memref_slice %arg3[%arg1, %mul3A_15, %dma_wait3A] : memref<16x176x128xi32, #tpu.memory_space<hbm>> -> memref<1x88x128xi32, #tpu.memory_space<hbm>>
      %dma_wait3A_36 = tpu.memref_squeeze %dma_wait3A_35 : memref<1x88x128xi32, #tpu.memory_space<hbm>> -> memref<88x128xi32, #tpu.memory_space<hbm>>
      %dma_wait3A_37 = arith.constant 0 : i32
      %dma_wait3A_38 = tpu.memref_slice %arg3[%arg1, %mul3A_15, %dma_wait3A_37] : memref<16x176x128xi32, #tpu.memory_space<hbm>> -> memref<1x88x128xi32, #tpu.memory_space<hbm>>
      %dma_wait3A_39 = tpu.memref_squeeze %dma_wait3A_38 : memref<1x88x128xi32, #tpu.memory_space<hbm>> -> memref<88x128xi32, #tpu.memory_space<hbm>>
      tpu.wait_dma2 semaphore(%run_scoped3A : memref<!tpu.dma_semaphore, #tpu.memory_space<semaphore_mem>>) src(%dma_wait3A_39 : memref<88x128xi32, #tpu.memory_space<hbm>>) dst(%arg6 : memref<88x128xi32, #tpu.memory_space<vmem>>)
      tpu.yield
    }) : () -> ()
    "tpu.region"() ({
      %run_scoped3A = tpu.sem_alloc : memref<!tpu.dma_semaphore, #tpu.memory_space<semaphore_mem>>
      %dma_start3A = arith.constant 0 : i32
      %dma_start3A_30 = tpu.memref_slice %arg4[%arg1, %mul3A_15, %dma_start3A] : memref<16x176x128xi32, #tpu.memory_space<hbm>> -> memref<1x88x128xi32, #tpu.memory_space<hbm>>
      %dma_start3A_31 = tpu.memref_squeeze %dma_start3A_30 : memref<1x88x128xi32, #tpu.memory_space<hbm>> -> memref<88x128xi32, #tpu.memory_space<hbm>>
      %dma_start3A_32 = arith.constant 0 : i32
      %dma_start3A_33 = tpu.memref_slice %arg4[%arg1, %mul3A_15, %dma_start3A_32] : memref<16x176x128xi32, #tpu.memory_space<hbm>> -> memref<1x88x128xi32, #tpu.memory_space<hbm>>
      %dma_start3A_34 = tpu.memref_squeeze %dma_start3A_33 : memref<1x88x128xi32, #tpu.memory_space<hbm>> -> memref<88x128xi32, #tpu.memory_space<hbm>>
      tpu.enqueue_dma source(%dma_start3A_34 : memref<88x128xi32, #tpu.memory_space<hbm>>) target(%arg7 : memref<88x128xi32, #tpu.memory_space<vmem>>) target_semaphore(%run_scoped3A : memref<!tpu.dma_semaphore, #tpu.memory_space<semaphore_mem>>)
      %dma_wait3A = arith.constant 0 : i32
      %dma_wait3A_35 = tpu.memref_slice %arg4[%arg1, %mul3A_15, %dma_wait3A] : memref<16x176x128xi32, #tpu.memory_space<hbm>> -> memref<1x88x128xi32, #tpu.memory_space<hbm>>
      %dma_wait3A_36 = tpu.memref_squeeze %dma_wait3A_35 : memref<1x88x128xi32, #tpu.memory_space<hbm>> -> memref<88x128xi32, #tpu.memory_space<hbm>>
      %dma_wait3A_37 = arith.constant 0 : i32
      %dma_wait3A_38 = tpu.memref_slice %arg4[%arg1, %mul3A_15, %dma_wait3A_37] : memref<16x176x128xi32, #tpu.memory_space<hbm>> -> memref<1x88x128xi32, #tpu.memory_space<hbm>>
      %dma_wait3A_39 = tpu.memref_squeeze %dma_wait3A_38 : memref<1x88x128xi32, #tpu.memory_space<hbm>> -> memref<88x128xi32, #tpu.memory_space<hbm>>
      tpu.wait_dma2 semaphore(%run_scoped3A : memref<!tpu.dma_semaphore, #tpu.memory_space<semaphore_mem>>) src(%dma_wait3A_39 : memref<88x128xi32, #tpu.memory_space<hbm>>) dst(%arg7 : memref<88x128xi32, #tpu.memory_space<vmem>>)
      tpu.yield
    }) : () -> ()
    %eq3A = arith.constant 0 : i32
    %eq3A_16 = arith.cmpi eq, %arg0, %eq3A : i32
    %jit3A = arith.constant 87 : i32
    %jit3A_17 = arith.constant 70 : i32
    %select_n3A = arith.select %eq3A_16, %jit3A, %jit3A_17 : i32
    %while3A = arith.constant 0 : i32
    %while3A_18 = arith.constant 0 : i32
    %while3A_19 = arith.subi %select_n3A, %while3A : i32
    %while3A_20 = arith.addi %while3A, %while3A_19 : i32
    %while3A_21 = arith.constant 1 : i32
    %while3A_22 = arith.divsi %while3A_19, %while3A_21 : i32
    %while3A_23 = arith.muli %while3A_22, %while3A_21 : i32
    %while3A_24 = arith.addi %while3A, %while3A_23 : i32
    %while3A_25 = arith.constant 1 : i32
    %while3A_26 = scf.for %while3A_30 = %while3A to %while3A_24 step %while3A_25 iter_args(%while3A_31 = %while3A_18) -> (i32)  : i32 {
      "tpu.region"() ({
        %run_scoped3A = tpu.sem_alloc : memref<!tpu.dma_semaphore, #tpu.memory_space<semaphore_mem>>
        %dma_start3A = arith.constant 0 : i32
        %dma_start3A_33 = tpu.memref_slice %arg6[%while3A_30, %dma_start3A] : memref<88x128xi32, #tpu.memory_space<vmem>> -> memref<1x128xi32, #tpu.memory_space<vmem>>
        %dma_start3A_34 = tpu.memref_squeeze %dma_start3A_33 : memref<1x128xi32, #tpu.memory_space<vmem>> -> memref<128xi32, #tpu.memory_space<vmem>>
        %dma_start3A_35 = arith.constant 0 : i32
        %dma_start3A_36 = arith.constant 0 : i32
        %dma_start3A_37 = tpu.memref_slice %arg2[%dma_start3A_35, %dma_start3A_36] : memref<10240x128xf32, #tpu.memory_space<hbm>> -> memref<10240x128xf32, #tpu.memory_space<hbm>>
        tpu.enqueue_indirect_dma source(%dma_start3A_37 : memref<10240x128xf32, #tpu.memory_space<hbm>>) target(%arg8 : memref<128x128xf32, #tpu.memory_space<vmem>>) offsets(%dma_start3A_34 : memref<128xi32, #tpu.memory_space<vmem>>) semaphore(%run_scoped3A : memref<!tpu.dma_semaphore, #tpu.memory_space<semaphore_mem>>)
        %dma_wait3A = arith.constant 0 : i32
        %dma_wait3A_38 = tpu.memref_slice %arg6[%while3A_30, %dma_wait3A] : memref<88x128xi32, #tpu.memory_space<vmem>> -> memref<1x128xi32, #tpu.memory_space<vmem>>
        %dma_wait3A_39 = tpu.memref_squeeze %dma_wait3A_38 : memref<1x128xi32, #tpu.memory_space<vmem>> -> memref<128xi32, #tpu.memory_space<vmem>>
        %dma_wait3A_40 = arith.constant 0 : i32
        %dma_wait3A_41 = arith.constant 0 : i32
        %dma_wait3A_42 = tpu.memref_slice %arg2[%dma_wait3A_40, %dma_wait3A_41] : memref<10240x128xf32, #tpu.memory_space<hbm>> -> memref<10240x128xf32, #tpu.memory_space<hbm>>
        tpu.wait_indirect_dma semaphore(%run_scoped3A : memref<!tpu.dma_semaphore, #tpu.memory_space<semaphore_mem>>) src(%dma_wait3A_42 : memref<10240x128xf32, #tpu.memory_space<hbm>>) dst(%arg8 : memref<128x128xf32, #tpu.memory_space<vmem>>)
        tpu.yield
      }) : () -> ()
      "tpu.region"() ({
        %run_scoped3A = tpu.sem_alloc : memref<!tpu.dma_semaphore, #tpu.memory_space<semaphore_mem>>
        %dma_start3A = arith.constant 0 : i32
        %dma_start3A_33 = tpu.memref_slice %arg7[%while3A_30, %dma_start3A] : memref<88x128xi32, #tpu.memory_space<vmem>> -> memref<1x128xi32, #tpu.memory_space<vmem>>
        %dma_start3A_34 = tpu.memref_squeeze %dma_start3A_33 : memref<1x128xi32, #tpu.memory_space<vmem>> -> memref<128xi32, #tpu.memory_space<vmem>>
        %dma_start3A_35 = arith.constant 0 : i32
        %dma_start3A_36 = arith.constant 0 : i32
        %dma_start3A_37 = tpu.memref_slice %arg9[%dma_start3A_35, %dma_start3A_36] : memref<10240x128xf32, #tpu.memory_space<vmem_shared>> -> memref<10240x128xf32, #tpu.memory_space<vmem_shared>>
        tpu.enqueue_indirect_dma source(%arg8 : memref<128x128xf32, #tpu.memory_space<vmem>>) target(%dma_start3A_37 : memref<10240x128xf32, #tpu.memory_space<vmem_shared>>) offsets(%dma_start3A_34 : memref<128xi32, #tpu.memory_space<vmem>>) semaphore(%run_scoped3A : memref<!tpu.dma_semaphore, #tpu.memory_space<semaphore_mem>>) {add = true}
        %dma_wait3A = arith.constant 0 : i32
        %dma_wait3A_38 = tpu.memref_slice %arg7[%while3A_30, %dma_wait3A] : memref<88x128xi32, #tpu.memory_space<vmem>> -> memref<1x128xi32, #tpu.memory_space<vmem>>
        %dma_wait3A_39 = tpu.memref_squeeze %dma_wait3A_38 : memref<1x128xi32, #tpu.memory_space<vmem>> -> memref<128xi32, #tpu.memory_space<vmem>>
        %dma_wait3A_40 = arith.constant 0 : i32
        %dma_wait3A_41 = arith.constant 0 : i32
        %dma_wait3A_42 = tpu.memref_slice %arg9[%dma_wait3A_40, %dma_wait3A_41] : memref<10240x128xf32, #tpu.memory_space<vmem_shared>> -> memref<10240x128xf32, #tpu.memory_space<vmem_shared>>
        tpu.wait_indirect_dma semaphore(%run_scoped3A : memref<!tpu.dma_semaphore, #tpu.memory_space<semaphore_mem>>) src(%arg8 : memref<128x128xf32, #tpu.memory_space<vmem>>) dst(%dma_wait3A_42 : memref<10240x128xf32, #tpu.memory_space<vmem_shared>>)
        tpu.yield
      }) : () -> ()
      %while3A_32 = arith.constant 0 : i32
      scf.yield %while3A_32 : i32
    }
    %while3A_27 = arith.constant 1 : i32
    %while3A_28 = scf.for %while3A_30 = %while3A_24 to %while3A_20 step %while3A_27 iter_args(%while3A_31 = %while3A_26) -> (i32)  : i32 {
      "tpu.region"() ({
        %run_scoped3A = tpu.sem_alloc : memref<!tpu.dma_semaphore, #tpu.memory_space<semaphore_mem>>
        %dma_start3A = arith.constant 0 : i32
        %dma_start3A_33 = tpu.memref_slice %arg6[%while3A_30, %dma_start3A] : memref<88x128xi32, #tpu.memory_space<vmem>> -> memref<1x128xi32, #tpu.memory_space<vmem>>
        %dma_start3A_34 = tpu.memref_squeeze %dma_start3A_33 : memref<1x128xi32, #tpu.memory_space<vmem>> -> memref<128xi32, #tpu.memory_space<vmem>>
        %dma_start3A_35 = arith.constant 0 : i32
        %dma_start3A_36 = arith.constant 0 : i32
        %dma_start3A_37 = tpu.memref_slice %arg2[%dma_start3A_35, %dma_start3A_36] : memref<10240x128xf32, #tpu.memory_space<hbm>> -> memref<10240x128xf32, #tpu.memory_space<hbm>>
        tpu.enqueue_indirect_dma source(%dma_start3A_37 : memref<10240x128xf32, #tpu.memory_space<hbm>>) target(%arg8 : memref<128x128xf32, #tpu.memory_space<vmem>>) offsets(%dma_start3A_34 : memref<128xi32, #tpu.memory_space<vmem>>) semaphore(%run_scoped3A : memref<!tpu.dma_semaphore, #tpu.memory_space<semaphore_mem>>)
        %dma_wait3A = arith.constant 0 : i32
        %dma_wait3A_38 = tpu.memref_slice %arg6[%while3A_30, %dma_wait3A] : memref<88x128xi32, #tpu.memory_space<vmem>> -> memref<1x128xi32, #tpu.memory_space<vmem>>
        %dma_wait3A_39 = tpu.memref_squeeze %dma_wait3A_38 : memref<1x128xi32, #tpu.memory_space<vmem>> -> memref<128xi32, #tpu.memory_space<vmem>>
        %dma_wait3A_40 = arith.constant 0 : i32
        %dma_wait3A_41 = arith.constant 0 : i32
        %dma_wait3A_42 = tpu.memref_slice %arg2[%dma_wait3A_40, %dma_wait3A_41] : memref<10240x128xf32, #tpu.memory_space<hbm>> -> memref<10240x128xf32, #tpu.memory_space<hbm>>
        tpu.wait_indirect_dma semaphore(%run_scoped3A : memref<!tpu.dma_semaphore, #tpu.memory_space<semaphore_mem>>) src(%dma_wait3A_42 : memref<10240x128xf32, #tpu.memory_space<hbm>>) dst(%arg8 : memref<128x128xf32, #tpu.memory_space<vmem>>)
        tpu.yield
      }) : () -> ()
      "tpu.region"() ({
        %run_scoped3A = tpu.sem_alloc : memref<!tpu.dma_semaphore, #tpu.memory_space<semaphore_mem>>
        %dma_start3A = arith.constant 0 : i32
        %dma_start3A_33 = tpu.memref_slice %arg7[%while3A_30, %dma_start3A] : memref<88x128xi32, #tpu.memory_space<vmem>> -> memref<1x128xi32, #tpu.memory_space<vmem>>
        %dma_start3A_34 = tpu.memref_squeeze %dma_start3A_33 : memref<1x128xi32, #tpu.memory_space<vmem>> -> memref<128xi32, #tpu.memory_space<vmem>>
        %dma_start3A_35 = arith.constant 0 : i32
        %dma_start3A_36 = arith.constant 0 : i32
        %dma_start3A_37 = tpu.memref_slice %arg9[%dma_start3A_35, %dma_start3A_36] : memref<10240x128xf32, #tpu.memory_space<vmem_shared>> -> memref<10240x128xf32, #tpu.memory_space<vmem_shared>>
        tpu.enqueue_indirect_dma source(%arg8 : memref<128x128xf32, #tpu.memory_space<vmem>>) target(%dma_start3A_37 : memref<10240x128xf32, #tpu.memory_space<vmem_shared>>) offsets(%dma_start3A_34 : memref<128xi32, #tpu.memory_space<vmem>>) semaphore(%run_scoped3A : memref<!tpu.dma_semaphore, #tpu.memory_space<semaphore_mem>>) {add = true}
        %dma_wait3A = arith.constant 0 : i32
        %dma_wait3A_38 = tpu.memref_slice %arg7[%while3A_30, %dma_wait3A] : memref<88x128xi32, #tpu.memory_space<vmem>> -> memref<1x128xi32, #tpu.memory_space<vmem>>
        %dma_wait3A_39 = tpu.memref_squeeze %dma_wait3A_38 : memref<1x128xi32, #tpu.memory_space<vmem>> -> memref<128xi32, #tpu.memory_space<vmem>>
        %dma_wait3A_40 = arith.constant 0 : i32
        %dma_wait3A_41 = arith.constant 0 : i32
        %dma_wait3A_42 = tpu.memref_slice %arg9[%dma_wait3A_40, %dma_wait3A_41] : memref<10240x128xf32, #tpu.memory_space<vmem_shared>> -> memref<10240x128xf32, #tpu.memory_space<vmem_shared>>
        tpu.wait_indirect_dma semaphore(%run_scoped3A : memref<!tpu.dma_semaphore, #tpu.memory_space<semaphore_mem>>) src(%arg8 : memref<128x128xf32, #tpu.memory_space<vmem>>) dst(%dma_wait3A_42 : memref<10240x128xf32, #tpu.memory_space<vmem_shared>>)
        tpu.yield
      }) : () -> ()
      %while3A_32 = arith.constant 0 : i32
      scf.yield %while3A_32 : i32
    }
    %barrier3A_29 = arith.constant 0 : index
    tpu.barrier barrier_id(%barrier3A_29)
    "tpu.region"() ({
      %run_scoped3A = tpu.sem_alloc : memref<!tpu.dma_semaphore, #tpu.memory_space<semaphore_mem>>
      %dma_start3A = arith.constant 0 : i32
      %dma_start3A_30 = tpu.memref_slice %arg5[%arg0, %mul3A_6, %dma_start3A] : memref<2x10240x128xf32, #tpu.memory_space<hbm>> -> memref<1x640x128xf32, #tpu.memory_space<hbm>>
      %dma_start3A_31 = tpu.memref_squeeze %dma_start3A_30 : memref<1x640x128xf32, #tpu.memory_space<hbm>> -> memref<640x128xf32, #tpu.memory_space<hbm>>
      %dma_start3A_32 = arith.constant 0 : i32
      %dma_start3A_33 = tpu.memref_slice %arg9[%mul3A_6, %dma_start3A_32] : memref<10240x128xf32, #tpu.memory_space<vmem_shared>> -> memref<640x128xf32, #tpu.memory_space<vmem_shared>>
      tpu.enqueue_dma source(%dma_start3A_33 : memref<640x128xf32, #tpu.memory_space<vmem_shared>>) target(%dma_start3A_31 : memref<640x128xf32, #tpu.memory_space<hbm>>) target_semaphore(%run_scoped3A : memref<!tpu.dma_semaphore, #tpu.memory_space<semaphore_mem>>)
      %dma_wait3A = arith.constant 0 : i32
      %dma_wait3A_34 = tpu.memref_slice %arg5[%arg0, %mul3A_6, %dma_wait3A] : memref<2x10240x128xf32, #tpu.memory_space<hbm>> -> memref<1x640x128xf32, #tpu.memory_space<hbm>>
      %dma_wait3A_35 = tpu.memref_squeeze %dma_wait3A_34 : memref<1x640x128xf32, #tpu.memory_space<hbm>> -> memref<640x128xf32, #tpu.memory_space<hbm>>
      %dma_wait3A_36 = arith.constant 0 : i32
      %dma_wait3A_37 = tpu.memref_slice %arg9[%mul3A_6, %dma_wait3A_36] : memref<10240x128xf32, #tpu.memory_space<vmem_shared>> -> memref<640x128xf32, #tpu.memory_space<vmem_shared>>
      tpu.wait_dma2 semaphore(%run_scoped3A : memref<!tpu.dma_semaphore, #tpu.memory_space<semaphore_mem>>) src(%dma_wait3A_37 : memref<640x128xf32, #tpu.memory_space<vmem_shared>>) dst(%dma_wait3A_35 : memref<640x128xf32, #tpu.memory_space<hbm>>)
      tpu.yield
    }) : () -> ()
    return
  }
}

#map = affine_map<(d0, d1) -> (0, 0)>
#map1 = affine_map<(d0, d1) -> (0, 0, 0)>
module attributes {stable_mosaic.version = 14 : i64} {
  func.func @agg_kernel(%arg0: i32, %arg1: i32, %arg2: memref<10240x128xf32, #tpu.memory_space<hbm>>, %arg3: memref<16x176x128xi32, #tpu.memory_space<hbm>>, %arg4: memref<16x176x128xi32, #tpu.memory_space<hbm>>, %arg5: memref<2x10240x128xf32, #tpu.memory_space<hbm>>, %arg6: memref<88x128xi32, #tpu.memory_space<vmem>>, %arg7: memref<88x128xi32, #tpu.memory_space<vmem>>, %arg8: memref<128x128xf32, #tpu.memory_space<vmem>>, %arg9: memref<10240x128xf32, #tpu.memory_space<vmem_shared>>) attributes {dimension_semantics = [#tpu.dimension_semantics<core_parallel>, #tpu.dimension_semantics<subcore_parallel>], iteration_bounds = array<i64: 2, 16>, scalar_prefetch = 0 : i64, scratch_operands = 4 : i64, tpu.core_type = #tpu.core_type<sc_vector_subcore>, window_params = [{transform_indices = #map}, {transform_indices = #map1}, {transform_indices = #map1}, {transform_indices = #map1}]} {
    %scan3A = arith.constant 0 : i32
    %scan3A_0 = arith.constant 0 : i32
    %scan3A_1 = arith.constant 1024 : i32
    %scan3A_2 = arith.addi %scan3A_0, %scan3A_1 : i32
    %scan3A_3 = arith.constant 1 : i32
    %scan3A_4 = scf.for %scan3A_30 = %scan3A_0 to %scan3A_2 step %scan3A_3 iter_args(%scan3A_31 = %scan3A) -> (i32)  : i32 {
      %broadcast_in_dim3A = arith.constant 0.000000e+00 : f32
      %broadcast_in_dim3A_32 = vector.broadcast %broadcast_in_dim3A : f32 to vector<16xf32>
      %jit3A_33 = arith.constant 8 : i32
      %div3A = arith.divsi %scan3A_30, %jit3A_33 : i32
      %sign3A = arith.constant 0 : i32
      %sign3A_34 = arith.cmpi sgt, %scan3A_30, %sign3A : i32
      %sign3A_35 = arith.extui %sign3A_34 : i1 to i32
      %sign3A_36 = arith.constant 0 : i32
      %sign3A_37 = arith.cmpi slt, %scan3A_30, %sign3A_36 : i32
      %sign3A_38 = arith.extui %sign3A_37 : i1 to i32
      %sign3A_39 = arith.subi %sign3A_35, %sign3A_38 : i32
      %sign3A_40 = arith.constant 0 : i32
      %sign3A_41 = arith.cmpi sgt, %jit3A_33, %sign3A_40 : i32
      %sign3A_42 = arith.extui %sign3A_41 : i1 to i32
      %sign3A_43 = arith.constant 0 : i32
      %sign3A_44 = arith.cmpi slt, %jit3A_33, %sign3A_43 : i32
      %sign3A_45 = arith.extui %sign3A_44 : i1 to i32
      %sign3A_46 = arith.subi %sign3A_42, %sign3A_45 : i32
      %ne3A = arith.cmpi ne, %sign3A_39, %sign3A_46 : i32
      %rem3A = arith.remsi %scan3A_30, %jit3A_33 : i32
      %ne3A_47 = arith.constant 0 : i32
      %ne3A_48 = arith.cmpi ne, %rem3A, %ne3A_47 : i32
      %and3A = arith.andi %ne3A, %ne3A_48 : i1
      %sub3A = arith.constant 1 : i32
      %sub3A_49 = arith.subi %div3A, %sub3A : i32
      %select_n3A_50 = arith.select %and3A, %sub3A_49, %div3A : i32
      %jit3A_51 = arith.constant 8 : i32
      %eq3A_52 = arith.constant 0 : i32
      %eq3A_53 = arith.cmpi eq, %jit3A_51, %eq3A_52 : i32
      %jit3A_54 = arith.constant 1 : i32
      %select_n3A_55 = arith.select %eq3A_53, %jit3A_54, %jit3A_51 : i32
      %rem3A_56 = arith.remsi %scan3A_30, %select_n3A_55 : i32
      %ne3A_57 = arith.constant 0 : i32
      %ne3A_58 = arith.cmpi ne, %rem3A_56, %ne3A_57 : i32
      %lt3A = arith.constant 0 : i32
      %lt3A_59 = arith.cmpi slt, %rem3A_56, %lt3A : i32
      %lt3A_60 = arith.constant 0 : i32
      %lt3A_61 = arith.cmpi slt, %select_n3A_55, %lt3A_60 : i32
      %ne3A_62 = arith.xori %lt3A_59, %lt3A_61 : i1
      %and3A_63 = arith.andi %ne3A_62, %ne3A_58 : i1
      %add3A = arith.addi %rem3A_56, %select_n3A_55 : i32
      %select_n3A_64 = arith.select %and3A_63, %add3A, %rem3A_56 : i32
      %mul3A_65 = arith.constant 16 : i32
      %mul3A_66 = arith.muli %select_n3A_64, %mul3A_65 : i32
      %swap3A = arith.index_cast %select_n3A_50 : i32 to index
      %swap3A_67 = arith.index_cast %mul3A_66 : i32 to index
      %swap3A_68 = tpu.vector_load %arg8[%swap3A, %swap3A_67] {strides = array<i32>} : memref<128x128xf32, #tpu.memory_space<vmem>>, vector<1x16xf32>,
      %swap3A_69 = vector.shape_cast %swap3A_68 : vector<1x16xf32> to vector<16xf32>
      %swap3A_70 = vector.shape_cast %broadcast_in_dim3A_32 : vector<16xf32> to vector<1x16xf32>
      tpu.vector_store %arg8[%swap3A, %swap3A_67], %swap3A_70 {strides = array<i32>} : memref<128x128xf32, #tpu.memory_space<vmem>>, vector<1x16xf32>,
      %scan3A_71 = arith.constant 0 : i32
      scf.yield %scan3A_71 : i32
    }
    %scan3A_5 = arith.constant 1024 : i32
    %mul3A = arith.constant 640 : i32
    %mul3A_6 = arith.muli %arg1, %mul3A : i32
    %scan3A_7 = arith.constant 0 : i32
    %scan3A_8 = arith.constant 0 : i32
    %scan3A_9 = arith.constant 5 : i32
    %scan3A_10 = arith.addi %scan3A_8, %scan3A_9 : i32
    %scan3A_11 = arith.constant 1 : i32
    %scan3A_12 = scf.for %scan3A_30 = %scan3A_8 to %scan3A_10 step %scan3A_11 iter_args(%scan3A_31 = %scan3A_7) -> (i32)  : i32 {
      %mul3A_32 = arith.constant 128 : i32
      %mul3A_33 = arith.muli %scan3A_30, %mul3A_32 : i32
      %add3A = arith.addi %mul3A_6, %mul3A_33 : i32
      "tpu.region"() ({
        %run_scoped3A = tpu.sem_alloc : memref<!tpu.dma_semaphore, #tpu.memory_space<semaphore_mem>>
        %dma_start3A = arith.constant 0 : i32
        %dma_start3A_35 = tpu.memref_slice %arg9[%add3A, %dma_start3A] : memref<10240x128xf32, #tpu.memory_space<vmem_shared>> -> memref<128x128xf32, #tpu.memory_space<vmem_shared>>
        %dma_start3A_36 = arith.constant 0 : i32
        %dma_start3A_37 = tpu.memref_slice %arg9[%add3A, %dma_start3A_36] : memref<10240x128xf32, #tpu.memory_space<vmem_shared>> -> memref<128x128xf32, #tpu.memory_space<vmem_shared>>
        tpu.enqueue_dma source(%arg8 : memref<128x128xf32, #tpu.memory_space<vmem>>) target(%dma_start3A_37 : memref<128x128xf32, #tpu.memory_space<vmem_shared>>) target_semaphore(%run_scoped3A : memref<!tpu.dma_semaphore, #tpu.memory_space<semaphore_mem>>)
        %dma_wait3A = arith.constant 0 : i32
        %dma_wait3A_38 = tpu.memref_slice %arg9[%add3A, %dma_wait3A] : memref<10240x128xf32, #tpu.memory_space<vmem_shared>> -> memref<128x128xf32, #tpu.memory_space<vmem_shared>>
        %dma_wait3A_39 = arith.constant 0 : i32
        %dma_wait3A_40 = tpu.memref_slice %arg9[%add3A, %dma_wait3A_39] : memref<10240x128xf32, #tpu.memory_space<vmem_shared>> -> memref<128x128xf32, #tpu.memory_space<vmem_shared>>
        tpu.wait_dma2 semaphore(%run_scoped3A : memref<!tpu.dma_semaphore, #tpu.memory_space<semaphore_mem>>) src(%arg8 : memref<128x128xf32, #tpu.memory_space<vmem>>) dst(%dma_wait3A_40 : memref<128x128xf32, #tpu.memory_space<vmem_shared>>)
        tpu.yield
      }) : () -> ()
      %scan3A_34 = arith.constant 0 : i32
      scf.yield %scan3A_34 : i32
    }
    %scan3A_13 = arith.constant 5 : i32
    %barrier3A = arith.constant 0 : index
    tpu.barrier barrier_id(%barrier3A)
    %mul3A_14 = arith.constant 88 : i32
    %mul3A_15 = arith.muli %arg0, %mul3A_14 : i32
    "tpu.region"() ({
      %run_scoped3A = tpu.sem_alloc : memref<!tpu.dma_semaphore, #tpu.memory_space<semaphore_mem>>
      %dma_start3A = arith.constant 0 : i32
      %dma_start3A_30 = tpu.memref_slice %arg3[%arg1, %mul3A_15, %dma_start3A] : memref<16x176x128xi32, #tpu.memory_space<hbm>> -> memref<1x88x128xi32, #tpu.memory_space<hbm>>
      %dma_start3A_31 = tpu.memref_squeeze %dma_start3A_30 : memref<1x88x128xi32, #tpu.memory_space<hbm>> -> memref<88x128xi32, #tpu.memory_space<hbm>>
      %dma_start3A_32 = arith.constant 0 : i32
      %dma_start3A_33 = tpu.memref_slice %arg3[%arg1, %mul3A_15, %dma_start3A_32] : memref<16x176x128xi32, #tpu.memory_space<hbm>> -> memref<1x88x128xi32, #tpu.memory_space<hbm>>
      %dma_start3A_34 = tpu.memref_squeeze %dma_start3A_33 : memref<1x88x128xi32, #tpu.memory_space<hbm>> -> memref<88x128xi32, #tpu.memory_space<hbm>>
      tpu.enqueue_dma source(%dma_start3A_34 : memref<88x128xi32, #tpu.memory_space<hbm>>) target(%arg6 : memref<88x128xi32, #tpu.memory_space<vmem>>) target_semaphore(%run_scoped3A : memref<!tpu.dma_semaphore, #tpu.memory_space<semaphore_mem>>)
      %dma_wait3A = arith.constant 0 : i32
      %dma_wait3A_35 = tpu.memref_slice %arg3[%arg1, %mul3A_15, %dma_wait3A] : memref<16x176x128xi32, #tpu.memory_space<hbm>> -> memref<1x88x128xi32, #tpu.memory_space<hbm>>
      %dma_wait3A_36 = tpu.memref_squeeze %dma_wait3A_35 : memref<1x88x128xi32, #tpu.memory_space<hbm>> -> memref<88x128xi32, #tpu.memory_space<hbm>>
      %dma_wait3A_37 = arith.constant 0 : i32
      %dma_wait3A_38 = tpu.memref_slice %arg3[%arg1, %mul3A_15, %dma_wait3A_37] : memref<16x176x128xi32, #tpu.memory_space<hbm>> -> memref<1x88x128xi32, #tpu.memory_space<hbm>>
      %dma_wait3A_39 = tpu.memref_squeeze %dma_wait3A_38 : memref<1x88x128xi32, #tpu.memory_space<hbm>> -> memref<88x128xi32, #tpu.memory_space<hbm>>
      tpu.wait_dma2 semaphore(%run_scoped3A : memref<!tpu.dma_semaphore, #tpu.memory_space<semaphore_mem>>) src(%dma_wait3A_39 : memref<88x128xi32, #tpu.memory_space<hbm>>) dst(%arg6 : memref<88x128xi32, #tpu.memory_space<vmem>>)
      tpu.yield
    }) : () -> ()
    "tpu.region"() ({
      %run_scoped3A = tpu.sem_alloc : memref<!tpu.dma_semaphore, #tpu.memory_space<semaphore_mem>>
      %dma_start3A = arith.constant 0 : i32
      %dma_start3A_30 = tpu.memref_slice %arg4[%arg1, %mul3A_15, %dma_start3A] : memref<16x176x128xi32, #tpu.memory_space<hbm>> -> memref<1x88x128xi32, #tpu.memory_space<hbm>>
      %dma_start3A_31 = tpu.memref_squeeze %dma_start3A_30 : memref<1x88x128xi32, #tpu.memory_space<hbm>> -> memref<88x128xi32, #tpu.memory_space<hbm>>
      %dma_start3A_32 = arith.constant 0 : i32
      %dma_start3A_33 = tpu.memref_slice %arg4[%arg1, %mul3A_15, %dma_start3A_32] : memref<16x176x128xi32, #tpu.memory_space<hbm>> -> memref<1x88x128xi32, #tpu.memory_space<hbm>>
      %dma_start3A_34 = tpu.memref_squeeze %dma_start3A_33 : memref<1x88x128xi32, #tpu.memory_space<hbm>> -> memref<88x128xi32, #tpu.memory_space<hbm>>
      tpu.enqueue_dma source(%dma_start3A_34 : memref<88x128xi32, #tpu.memory_space<hbm>>) target(%arg7 : memref<88x128xi32, #tpu.memory_space<vmem>>) target_semaphore(%run_scoped3A : memref<!tpu.dma_semaphore, #tpu.memory_space<semaphore_mem>>)
      %dma_wait3A = arith.constant 0 : i32
      %dma_wait3A_35 = tpu.memref_slice %arg4[%arg1, %mul3A_15, %dma_wait3A] : memref<16x176x128xi32, #tpu.memory_space<hbm>> -> memref<1x88x128xi32, #tpu.memory_space<hbm>>
      %dma_wait3A_36 = tpu.memref_squeeze %dma_wait3A_35 : memref<1x88x128xi32, #tpu.memory_space<hbm>> -> memref<88x128xi32, #tpu.memory_space<hbm>>
      %dma_wait3A_37 = arith.constant 0 : i32
      %dma_wait3A_38 = tpu.memref_slice %arg4[%arg1, %mul3A_15, %dma_wait3A_37] : memref<16x176x128xi32, #tpu.memory_space<hbm>> -> memref<1x88x128xi32, #tpu.memory_space<hbm>>
      %dma_wait3A_39 = tpu.memref_squeeze %dma_wait3A_38 : memref<1x88x128xi32, #tpu.memory_space<hbm>> -> memref<88x128xi32, #tpu.memory_space<hbm>>
      tpu.wait_dma2 semaphore(%run_scoped3A : memref<!tpu.dma_semaphore, #tpu.memory_space<semaphore_mem>>) src(%dma_wait3A_39 : memref<88x128xi32, #tpu.memory_space<hbm>>) dst(%arg7 : memref<88x128xi32, #tpu.memory_space<vmem>>)
      tpu.yield
    }) : () -> ()
    %eq3A = arith.constant 0 : i32
    %eq3A_16 = arith.cmpi eq, %arg0, %eq3A : i32
    %jit3A = arith.constant 87 : i32
    %jit3A_17 = arith.constant 70 : i32
    %select_n3A = arith.select %eq3A_16, %jit3A, %jit3A_17 : i32
    %while3A = arith.constant 0 : i32
    %while3A_18 = arith.constant 0 : i32
    %while3A_19 = arith.subi %select_n3A, %while3A : i32
    %while3A_20 = arith.addi %while3A, %while3A_19 : i32
    %while3A_21 = arith.constant 1 : i32
    %while3A_22 = arith.divsi %while3A_19, %while3A_21 : i32
    %while3A_23 = arith.muli %while3A_22, %while3A_21 : i32
    %while3A_24 = arith.addi %while3A, %while3A_23 : i32
    %while3A_25 = arith.constant 1 : i32
    %while3A_26 = scf.for %while3A_30 = %while3A to %while3A_24 step %while3A_25 iter_args(%while3A_31 = %while3A_18) -> (i32)  : i32 {
      "tpu.region"() ({
        %run_scoped3A = tpu.sem_alloc : memref<!tpu.dma_semaphore, #tpu.memory_space<semaphore_mem>>
        %dma_start3A = arith.constant 0 : i32
        %dma_start3A_33 = tpu.memref_slice %arg6[%while3A_30, %dma_start3A] : memref<88x128xi32, #tpu.memory_space<vmem>> -> memref<1x128xi32, #tpu.memory_space<vmem>>
        %dma_start3A_34 = tpu.memref_squeeze %dma_start3A_33 : memref<1x128xi32, #tpu.memory_space<vmem>> -> memref<128xi32, #tpu.memory_space<vmem>>
        %dma_start3A_35 = arith.constant 0 : i32
        %dma_start3A_36 = arith.constant 0 : i32
        %dma_start3A_37 = tpu.memref_slice %arg2[%dma_start3A_35, %dma_start3A_36] : memref<10240x128xf32, #tpu.memory_space<hbm>> -> memref<10240x128xf32, #tpu.memory_space<hbm>>
        tpu.enqueue_indirect_dma source(%dma_start3A_37 : memref<10240x128xf32, #tpu.memory_space<hbm>>) target(%arg8 : memref<128x128xf32, #tpu.memory_space<vmem>>) offsets(%dma_start3A_34 : memref<128xi32, #tpu.memory_space<vmem>>) semaphore(%run_scoped3A : memref<!tpu.dma_semaphore, #tpu.memory_space<semaphore_mem>>)
        %dma_wait3A = arith.constant 0 : i32
        %dma_wait3A_38 = tpu.memref_slice %arg6[%while3A_30, %dma_wait3A] : memref<88x128xi32, #tpu.memory_space<vmem>> -> memref<1x128xi32, #tpu.memory_space<vmem>>
        %dma_wait3A_39 = tpu.memref_squeeze %dma_wait3A_38 : memref<1x128xi32, #tpu.memory_space<vmem>> -> memref<128xi32, #tpu.memory_space<vmem>>
        %dma_wait3A_40 = arith.constant 0 : i32
        %dma_wait3A_41 = arith.constant 0 : i32
        %dma_wait3A_42 = tpu.memref_slice %arg2[%dma_wait3A_40, %dma_wait3A_41] : memref<10240x128xf32, #tpu.memory_space<hbm>> -> memref<10240x128xf32, #tpu.memory_space<hbm>>
        tpu.wait_indirect_dma semaphore(%run_scoped3A : memref<!tpu.dma_semaphore, #tpu.memory_space<semaphore_mem>>) src(%dma_wait3A_42 : memref<10240x128xf32, #tpu.memory_space<hbm>>) dst(%arg8 : memref<128x128xf32, #tpu.memory_space<vmem>>)
        tpu.yield
      }) : () -> ()
      "tpu.region"() ({
        %run_scoped3A = tpu.sem_alloc : memref<!tpu.dma_semaphore, #tpu.memory_space<semaphore_mem>>
        %dma_start3A = arith.constant 0 : i32
        %dma_start3A_33 = tpu.memref_slice %arg7[%while3A_30, %dma_start3A] : memref<88x128xi32, #tpu.memory_space<vmem>> -> memref<1x128xi32, #tpu.memory_space<vmem>>
        %dma_start3A_34 = tpu.memref_squeeze %dma_start3A_33 : memref<1x128xi32, #tpu.memory_space<vmem>> -> memref<128xi32, #tpu.memory_space<vmem>>
        %dma_start3A_35 = arith.constant 0 : i32
        %dma_start3A_36 = arith.constant 0 : i32
        %dma_start3A_37 = tpu.memref_slice %arg9[%dma_start3A_35, %dma_start3A_36] : memref<10240x128xf32, #tpu.memory_space<vmem_shared>> -> memref<10240x128xf32, #tpu.memory_space<vmem_shared>>
        tpu.enqueue_indirect_dma source(%arg8 : memref<128x128xf32, #tpu.memory_space<vmem>>) target(%dma_start3A_37 : memref<10240x128xf32, #tpu.memory_space<vmem_shared>>) offsets(%dma_start3A_34 : memref<128xi32, #tpu.memory_space<vmem>>) semaphore(%run_scoped3A : memref<!tpu.dma_semaphore, #tpu.memory_space<semaphore_mem>>) {add = true}
        %dma_wait3A = arith.constant 0 : i32
        %dma_wait3A_38 = tpu.memref_slice %arg7[%while3A_30, %dma_wait3A] : memref<88x128xi32, #tpu.memory_space<vmem>> -> memref<1x128xi32, #tpu.memory_space<vmem>>
        %dma_wait3A_39 = tpu.memref_squeeze %dma_wait3A_38 : memref<1x128xi32, #tpu.memory_space<vmem>> -> memref<128xi32, #tpu.memory_space<vmem>>
        %dma_wait3A_40 = arith.constant 0 : i32
        %dma_wait3A_41 = arith.constant 0 : i32
        %dma_wait3A_42 = tpu.memref_slice %arg9[%dma_wait3A_40, %dma_wait3A_41] : memref<10240x128xf32, #tpu.memory_space<vmem_shared>> -> memref<10240x128xf32, #tpu.memory_space<vmem_shared>>
        tpu.wait_indirect_dma semaphore(%run_scoped3A : memref<!tpu.dma_semaphore, #tpu.memory_space<semaphore_mem>>) src(%arg8 : memref<128x128xf32, #tpu.memory_space<vmem>>) dst(%dma_wait3A_42 : memref<10240x128xf32, #tpu.memory_space<vmem_shared>>)
        tpu.yield
      }) : () -> ()
      %while3A_32 = arith.constant 0 : i32
      scf.yield %while3A_32 : i32
    }
    %while3A_27 = arith.constant 1 : i32
    %while3A_28 = scf.for %while3A_30 = %while3A_24 to %while3A_20 step %while3A_27 iter_args(%while3A_31 = %while3A_26) -> (i32)  : i32 {
      "tpu.region"() ({
        %run_scoped3A = tpu.sem_alloc : memref<!tpu.dma_semaphore, #tpu.memory_space<semaphore_mem>>
        %dma_start3A = arith.constant 0 : i32
        %dma_start3A_33 = tpu.memref_slice %arg6[%while3A_30, %dma_start3A] : memref<88x128xi32, #tpu.memory_space<vmem>> -> memref<1x128xi32, #tpu.memory_space<vmem>>
        %dma_start3A_34 = tpu.memref_squeeze %dma_start3A_33 : memref<1x128xi32, #tpu.memory_space<vmem>> -> memref<128xi32, #tpu.memory_space<vmem>>
        %dma_start3A_35 = arith.constant 0 : i32
        %dma_start3A_36 = arith.constant 0 : i32
        %dma_start3A_37 = tpu.memref_slice %arg2[%dma_start3A_35, %dma_start3A_36] : memref<10240x128xf32, #tpu.memory_space<hbm>> -> memref<10240x128xf32, #tpu.memory_space<hbm>>
        tpu.enqueue_indirect_dma source(%dma_start3A_37 : memref<10240x128xf32, #tpu.memory_space<hbm>>) target(%arg8 : memref<128x128xf32, #tpu.memory_space<vmem>>) offsets(%dma_start3A_34 : memref<128xi32, #tpu.memory_space<vmem>>) semaphore(%run_scoped3A : memref<!tpu.dma_semaphore, #tpu.memory_space<semaphore_mem>>)
        %dma_wait3A = arith.constant 0 : i32
        %dma_wait3A_38 = tpu.memref_slice %arg6[%while3A_30, %dma_wait3A] : memref<88x128xi32, #tpu.memory_space<vmem>> -> memref<1x128xi32, #tpu.memory_space<vmem>>
        %dma_wait3A_39 = tpu.memref_squeeze %dma_wait3A_38 : memref<1x128xi32, #tpu.memory_space<vmem>> -> memref<128xi32, #tpu.memory_space<vmem>>
        %dma_wait3A_40 = arith.constant 0 : i32
        %dma_wait3A_41 = arith.constant 0 : i32
        %dma_wait3A_42 = tpu.memref_slice %arg2[%dma_wait3A_40, %dma_wait3A_41] : memref<10240x128xf32, #tpu.memory_space<hbm>> -> memref<10240x128xf32, #tpu.memory_space<hbm>>
        tpu.wait_indirect_dma semaphore(%run_scoped3A : memref<!tpu.dma_semaphore, #tpu.memory_space<semaphore_mem>>) src(%dma_wait3A_42 : memref<10240x128xf32, #tpu.memory_space<hbm>>) dst(%arg8 : memref<128x128xf32, #tpu.memory_space<vmem>>)
        tpu.yield
      }) : () -> ()
      "tpu.region"() ({
        %run_scoped3A = tpu.sem_alloc : memref<!tpu.dma_semaphore, #tpu.memory_space<semaphore_mem>>
        %dma_start3A = arith.constant 0 : i32
        %dma_start3A_33 = tpu.memref_slice %arg7[%while3A_30, %dma_start3A] : memref<88x128xi32, #tpu.memory_space<vmem>> -> memref<1x128xi32, #tpu.memory_space<vmem>>
        %dma_start3A_34 = tpu.memref_squeeze %dma_start3A_33 : memref<1x128xi32, #tpu.memory_space<vmem>> -> memref<128xi32, #tpu.memory_space<vmem>>
        %dma_start3A_35 = arith.constant 0 : i32
        %dma_start3A_36 = arith.constant 0 : i32
        %dma_start3A_37 = tpu.memref_slice %arg9[%dma_start3A_35, %dma_start3A_36] : memref<10240x128xf32, #tpu.memory_space<vmem_shared>> -> memref<10240x128xf32, #tpu.memory_space<vmem_shared>>
        tpu.enqueue_indirect_dma source(%arg8 : memref<128x128xf32, #tpu.memory_space<vmem>>) target(%dma_start3A_37 : memref<10240x128xf32, #tpu.memory_space<vmem_shared>>) offsets(%dma_start3A_34 : memref<128xi32, #tpu.memory_space<vmem>>) semaphore(%run_scoped3A : memref<!tpu.dma_semaphore, #tpu.memory_space<semaphore_mem>>) {add = true}
        %dma_wait3A = arith.constant 0 : i32
        %dma_wait3A_38 = tpu.memref_slice %arg7[%while3A_30, %dma_wait3A] : memref<88x128xi32, #tpu.memory_space<vmem>> -> memref<1x128xi32, #tpu.memory_space<vmem>>
        %dma_wait3A_39 = tpu.memref_squeeze %dma_wait3A_38 : memref<1x128xi32, #tpu.memory_space<vmem>> -> memref<128xi32, #tpu.memory_space<vmem>>
        %dma_wait3A_40 = arith.constant 0 : i32
        %dma_wait3A_41 = arith.constant 0 : i32
        %dma_wait3A_42 = tpu.memref_slice %arg9[%dma_wait3A_40, %dma_wait3A_41] : memref<10240x128xf32, #tpu.memory_space<vmem_shared>> -> memref<10240x128xf32, #tpu.memory_space<vmem_shared>>
        tpu.wait_indirect_dma semaphore(%run_scoped3A : memref<!tpu.dma_semaphore, #tpu.memory_space<semaphore_mem>>) src(%arg8 : memref<128x128xf32, #tpu.memory_space<vmem>>) dst(%dma_wait3A_42 : memref<10240x128xf32, #tpu.memory_space<vmem_shared>>)
        tpu.yield
      }) : () -> ()
      %while3A_32 = arith.constant 0 : i32
      scf.yield %while3A_32 : i32
    }
    %barrier3A_29 = arith.constant 0 : index
    tpu.barrier barrier_id(%barrier3A_29)
    "tpu.region"() ({
      %run_scoped3A = tpu.sem_alloc : memref<!tpu.dma_semaphore, #tpu.memory_space<semaphore_mem>>
      %dma_start3A = arith.constant 0 : i32
      %dma_start3A_30 = tpu.memref_slice %arg5[%arg0, %mul3A_6, %dma_start3A] : memref<2x10240x128xf32, #tpu.memory_space<hbm>> -> memref<1x640x128xf32, #tpu.memory_space<hbm>>
      %dma_start3A_31 = tpu.memref_squeeze %dma_start3A_30 : memref<1x640x128xf32, #tpu.memory_space<hbm>> -> memref<640x128xf32, #tpu.memory_space<hbm>>
      %dma_start3A_32 = arith.constant 0 : i32
      %dma_start3A_33 = tpu.memref_slice %arg9[%mul3A_6, %dma_start3A_32] : memref<10240x128xf32, #tpu.memory_space<vmem_shared>> -> memref<640x128xf32, #tpu.memory_space<vmem_shared>>
      tpu.enqueue_dma source(%dma_start3A_33 : memref<640x128xf32, #tpu.memory_space<vmem_shared>>) target(%dma_start3A_31 : memref<640x128xf32, #tpu.memory_space<hbm>>) target_semaphore(%run_scoped3A : memref<!tpu.dma_semaphore, #tpu.memory_space<semaphore_mem>>)
      %dma_wait3A = arith.constant 0 : i32
      %dma_wait3A_34 = tpu.memref_slice %arg5[%arg0, %mul3A_6, %dma_wait3A] : memref<2x10240x128xf32, #tpu.memory_space<hbm>> -> memref<1x640x128xf32, #tpu.memory_space<hbm>>
      %dma_wait3A_35 = tpu.memref_squeeze %dma_wait3A_34 : memref<1x640x128xf32, #tpu.memory_space<hbm>> -> memref<640x128xf32, #tpu.memory_space<hbm>>
      %dma_wait3A_36 = arith.constant 0 : i32
      %dma_wait3A_37 = tpu.memref_slice %arg9[%mul3A_6, %dma_wait3A_36] : memref<10240x128xf32, #tpu.memory_space<vmem_shared>> -> memref<640x128xf32, #tpu.memory_space<vmem_shared>>
      tpu.wait_dma2 semaphore(%run_scoped3A : memref<!tpu.dma_semaphore, #tpu.memory_space<semaphore_mem>>) src(%dma_wait3A_37 : memref<640x128xf32, #tpu.memory_space<vmem_shared>>) dst(%dma_wait3A_35 : memref<640x128xf32, #tpu.memory_space<hbm>>)
      tpu.yield
    }) : () -> ()
    return
  }
}

module attributes {stable_mosaic.version = 14 : i64} {
  func.func @_tc_first_body(%arg0: memref<10240x4xf32, #tpu.memory_space<vmem>>, %arg1: memref<10240x128xf32, #tpu.memory_space<vmem>>, %arg2: memref<128x128xf32, #tpu.memory_space<vmem>>, %arg3: memref<10240x128xf32, #tpu.memory_space<vmem>>) attributes {dimension_semantics = [], scalar_prefetch = 0 : i64, scratch_operands = 0 : i64, tpu.core_type = #tpu.core_type<tc>} {
    %get3A = arith.constant 0 : index
    %get3A_0 = arith.constant 0 : index
    %get3A_1 = vector.load %arg0[%get3A, %get3A_0] : memref<10240x4xf32, #tpu.memory_space<vmem>>, vector<10240x4xf32>
    %slice3A = vector.extract_strided_slice %get3A_1 {offsets = [0, 0], sizes = [10240, 1], strides = [1, 1]} : vector<10240x4xf32> to vector<10240x1xf32>
    %slice3A_2 = vector.extract_strided_slice %get3A_1 {offsets = [0, 1], sizes = [10240, 1], strides = [1, 1]} : vector<10240x4xf32> to vector<10240x1xf32>
    %add3A = arith.addf %slice3A, %slice3A_2 : vector<10240x1xf32>
    %max3A = arith.constant 1.000000e+00 : f32
    %max3A_3 = vector.broadcast %max3A : f32 to vector<10240x1xf32>
    %max3A_4 = arith.maximumf %add3A, %max3A_3 : vector<10240x1xf32>
    %rsqrt3A = math.rsqrt %max3A_4 : vector<10240x1xf32>
    %get3A_5 = arith.constant 0 : index
    %get3A_6 = arith.constant 0 : index
    %get3A_7 = vector.load %arg1[%get3A_5, %get3A_6] : memref<10240x128xf32, #tpu.memory_space<vmem>>, vector<10240x128xf32>
    %get3A_8 = arith.constant 0 : index
    %get3A_9 = arith.constant 0 : index
    %get3A_10 = vector.load %arg2[%get3A_8, %get3A_9] : memref<128x128xf32, #tpu.memory_space<vmem>>, vector<128x128xf32>
    %dot_general3A = arith.constant dense<0.000000e+00> : vector<10240x128xf32>
    %dot_general3A_11 = tpu.matmul %get3A_7, %get3A_10, %dot_general3A {dimension_numbers = #tpu.dot_dimension_numbers<[1], [0], [0], [1], [0, 0, 1, 1], [], []>, transpose_lhs_hint = false} : vector<10240x128xf32>, vector<128x128xf32>, vector<10240x128xf32> -> vector<10240x128xf32>
    %mul3A = vector.broadcast %rsqrt3A : vector<10240x1xf32> to vector<10240x128xf32>
    %mul3A_12 = arith.mulf %dot_general3A_11, %mul3A : vector<10240x128xf32>
    %swap3A = arith.constant 0 : index
    %swap3A_13 = arith.constant 0 : index
    %swap3A_14 = vector.load %arg3[%swap3A, %swap3A_13] : memref<10240x128xf32, #tpu.memory_space<vmem>>, vector<10240x128xf32>
    tpu.vector_store %arg3[%swap3A, %swap3A_13], %mul3A_12 {strides = array<i32>} : memref<10240x128xf32, #tpu.memory_space<vmem>>, vector<10240x128xf32>,
    return
  }
}

module attributes {stable_mosaic.version = 14 : i64} {
  func.func @_tc_mid_body(%arg0: memref<10240x4xf32, #tpu.memory_space<vmem>>, %arg1: memref<2x10240x128xf32, #tpu.memory_space<vmem>>, %arg2: memref<128xf32, #tpu.memory_space<vmem>>, %arg3: memref<128x128xf32, #tpu.memory_space<vmem>>, %arg4: memref<10240x128xf32, #tpu.memory_space<vmem>>) attributes {dimension_semantics = [], scalar_prefetch = 0 : i64, scratch_operands = 0 : i64, tpu.core_type = #tpu.core_type<tc>} {
    %get3A = arith.constant 0 : index
    %get3A_0 = arith.constant 0 : index
    %get3A_1 = vector.load %arg0[%get3A, %get3A_0] : memref<10240x4xf32, #tpu.memory_space<vmem>>, vector<10240x4xf32>
    %slice3A = vector.extract_strided_slice %get3A_1 {offsets = [0, 0], sizes = [10240, 1], strides = [1, 1]} : vector<10240x4xf32> to vector<10240x1xf32>
    %slice3A_2 = vector.extract_strided_slice %get3A_1 {offsets = [0, 1], sizes = [10240, 1], strides = [1, 1]} : vector<10240x4xf32> to vector<10240x1xf32>
    %add3A = arith.addf %slice3A, %slice3A_2 : vector<10240x1xf32>
    %max3A = arith.constant 1.000000e+00 : f32
    %max3A_3 = vector.broadcast %max3A : f32 to vector<10240x1xf32>
    %max3A_4 = arith.maximumf %add3A, %max3A_3 : vector<10240x1xf32>
    %rsqrt3A = math.rsqrt %max3A_4 : vector<10240x1xf32>
    %slice3A_5 = vector.extract_strided_slice %get3A_1 {offsets = [0, 2], sizes = [10240, 1], strides = [1, 1]} : vector<10240x4xf32> to vector<10240x1xf32>
    %slice3A_6 = vector.extract_strided_slice %get3A_1 {offsets = [0, 3], sizes = [10240, 1], strides = [1, 1]} : vector<10240x4xf32> to vector<10240x1xf32>
    %add3A_7 = arith.addf %slice3A_5, %slice3A_6 : vector<10240x1xf32>
    %max3A_8 = arith.constant 1.000000e+00 : f32
    %max3A_9 = vector.broadcast %max3A_8 : f32 to vector<10240x1xf32>
    %max3A_10 = arith.maximumf %add3A_7, %max3A_9 : vector<10240x1xf32>
    %rsqrt3A_11 = math.rsqrt %max3A_10 : vector<10240x1xf32>
    %get3A_12 = arith.constant 0 : index
    %get3A_13 = arith.constant 0 : index
    %get3A_14 = arith.constant 0 : index
    %get3A_15 = vector.load %arg1[%get3A_12, %get3A_13, %get3A_14] : memref<2x10240x128xf32, #tpu.memory_space<vmem>>, vector<1x10240x128xf32>
    %get3A_16 = vector.shape_cast %get3A_15 : vector<1x10240x128xf32> to vector<10240x128xf32>
    %get3A_17 = arith.constant 1 : index
    %get3A_18 = arith.constant 0 : index
    %get3A_19 = arith.constant 0 : index
    %get3A_20 = vector.load %arg1[%get3A_17, %get3A_18, %get3A_19] : memref<2x10240x128xf32, #tpu.memory_space<vmem>>, vector<1x10240x128xf32>
    %get3A_21 = vector.shape_cast %get3A_20 : vector<1x10240x128xf32> to vector<10240x128xf32>
    %add3A_22 = arith.addf %get3A_16, %get3A_21 : vector<10240x128xf32>
    %mul3A = vector.broadcast %rsqrt3A_11 : vector<10240x1xf32> to vector<10240x128xf32>
    %mul3A_23 = arith.mulf %add3A_22, %mul3A : vector<10240x128xf32>
    %get3A_24 = arith.constant 0 : index
    %get3A_25 = vector.load %arg2[%get3A_24] : memref<128xf32, #tpu.memory_space<vmem>>, vector<128xf32>
    %broadcast_in_dim3A = vector.shape_cast %get3A_25 : vector<128xf32> to vector<1x128xf32>
    %add3A_26 = vector.broadcast %broadcast_in_dim3A : vector<1x128xf32> to vector<10240x128xf32>
    %add3A_27 = arith.addf %mul3A_23, %add3A_26 : vector<10240x128xf32>
    %max3A_28 = arith.constant 0.000000e+00 : f32
    %max3A_29 = vector.broadcast %max3A_28 : f32 to vector<10240x128xf32>
    %max3A_30 = arith.maximumf %add3A_27, %max3A_29 : vector<10240x128xf32>
    %get3A_31 = arith.constant 0 : index
    %get3A_32 = arith.constant 0 : index
    %get3A_33 = vector.load %arg3[%get3A_31, %get3A_32] : memref<128x128xf32, #tpu.memory_space<vmem>>, vector<128x128xf32>
    %dot_general3A = arith.constant dense<0.000000e+00> : vector<10240x128xf32>
    %dot_general3A_34 = tpu.matmul %max3A_30, %get3A_33, %dot_general3A {dimension_numbers = #tpu.dot_dimension_numbers<[1], [0], [0], [1], [0, 0, 1, 1], [], []>, transpose_lhs_hint = false} : vector<10240x128xf32>, vector<128x128xf32>, vector<10240x128xf32> -> vector<10240x128xf32>
    %mul3A_35 = vector.broadcast %rsqrt3A : vector<10240x1xf32> to vector<10240x128xf32>
    %mul3A_36 = arith.mulf %dot_general3A_34, %mul3A_35 : vector<10240x128xf32>
    %swap3A = arith.constant 0 : index
    %swap3A_37 = arith.constant 0 : index
    %swap3A_38 = vector.load %arg4[%swap3A, %swap3A_37] : memref<10240x128xf32, #tpu.memory_space<vmem>>, vector<10240x128xf32>
    tpu.vector_store %arg4[%swap3A, %swap3A_37], %mul3A_36 {strides = array<i32>} : memref<10240x128xf32, #tpu.memory_space<vmem>>, vector<10240x128xf32>,
    return
  }
}

module attributes {stable_mosaic.version = 14 : i64} {
  func.func @_tc_last_body(%arg0: memref<10240x4xf32, #tpu.memory_space<vmem>>, %arg1: memref<2x10240x128xf32, #tpu.memory_space<vmem>>, %arg2: memref<128xf32, #tpu.memory_space<vmem>>, %arg3: memref<10240x128xf32, #tpu.memory_space<vmem>>) attributes {dimension_semantics = [], scalar_prefetch = 0 : i64, scratch_operands = 0 : i64, tpu.core_type = #tpu.core_type<tc>} {
    %get3A = arith.constant 0 : index
    %get3A_0 = arith.constant 0 : index
    %get3A_1 = vector.load %arg0[%get3A, %get3A_0] : memref<10240x4xf32, #tpu.memory_space<vmem>>, vector<10240x4xf32>
    %slice3A = vector.extract_strided_slice %get3A_1 {offsets = [0, 2], sizes = [10240, 1], strides = [1, 1]} : vector<10240x4xf32> to vector<10240x1xf32>
    %slice3A_2 = vector.extract_strided_slice %get3A_1 {offsets = [0, 3], sizes = [10240, 1], strides = [1, 1]} : vector<10240x4xf32> to vector<10240x1xf32>
    %add3A = arith.addf %slice3A, %slice3A_2 : vector<10240x1xf32>
    %max3A = arith.constant 1.000000e+00 : f32
    %max3A_3 = vector.broadcast %max3A : f32 to vector<10240x1xf32>
    %max3A_4 = arith.maximumf %add3A, %max3A_3 : vector<10240x1xf32>
    %rsqrt3A = math.rsqrt %max3A_4 : vector<10240x1xf32>
    %get3A_5 = arith.constant 0 : index
    %get3A_6 = arith.constant 0 : index
    %get3A_7 = arith.constant 0 : index
    %get3A_8 = vector.load %arg1[%get3A_5, %get3A_6, %get3A_7] : memref<2x10240x128xf32, #tpu.memory_space<vmem>>, vector<1x10240x128xf32>
    %get3A_9 = vector.shape_cast %get3A_8 : vector<1x10240x128xf32> to vector<10240x128xf32>
    %get3A_10 = arith.constant 1 : index
    %get3A_11 = arith.constant 0 : index
    %get3A_12 = arith.constant 0 : index
    %get3A_13 = vector.load %arg1[%get3A_10, %get3A_11, %get3A_12] : memref<2x10240x128xf32, #tpu.memory_space<vmem>>, vector<1x10240x128xf32>
    %get3A_14 = vector.shape_cast %get3A_13 : vector<1x10240x128xf32> to vector<10240x128xf32>
    %add3A_15 = arith.addf %get3A_9, %get3A_14 : vector<10240x128xf32>
    %mul3A = vector.broadcast %rsqrt3A : vector<10240x1xf32> to vector<10240x128xf32>
    %mul3A_16 = arith.mulf %add3A_15, %mul3A : vector<10240x128xf32>
    %get3A_17 = arith.constant 0 : index
    %get3A_18 = vector.load %arg2[%get3A_17] : memref<128xf32, #tpu.memory_space<vmem>>, vector<128xf32>
    %broadcast_in_dim3A = vector.shape_cast %get3A_18 : vector<128xf32> to vector<1x128xf32>
    %add3A_19 = vector.broadcast %broadcast_in_dim3A : vector<1x128xf32> to vector<10240x128xf32>
    %add3A_20 = arith.addf %mul3A_16, %add3A_19 : vector<10240x128xf32>
    %swap3A = arith.constant 0 : index
    %swap3A_21 = arith.constant 0 : index
    %swap3A_22 = vector.load %arg3[%swap3A, %swap3A_21] : memref<10240x128xf32, #tpu.memory_space<vmem>>, vector<10240x128xf32>
    tpu.vector_store %arg3[%swap3A, %swap3A_21], %add3A_20 {strides = array<i32>} : memref<10240x128xf32, #tpu.memory_space<vmem>>, vector<10240x128xf32>,
    return
  }
}

</mosaic_0001>

<sc_bundles>
// kernel: kernel.10.cloned.1.call-start
scs
__scs_entry_jumppad:
0x0: {  	(pc) =	sbr.rel $0x88, $3  }
0x1: {  	(tag) =	ssettag $0x0;
	lr =	simm.s32 $0x1  }
0x2: {  	[smem:$0x3F99] =	sst lr;
	_ =	strace $0xD0000000  }
0x3: {  	_ = 	snop  }
0x4: {  	_ = 	snop  }
0x5: {  	_ = 	snop  }
0x6: {  	_ = 	snop  }
0x7: {  	_ = 	snop  }
__scs_overlays_trampoline_lowered:
0x8: {  	[smem:$0x3FA8] =	sst s0  }
0x9: {  	[smem:$0x3FA9] =	sst s1  }
0xa: {  	[smem:$0x3FAA] =	sst s2  }
0xb: {  	[smem:$0x3FAB] =	sst s3  }
0xc: {  	[smem:$0x3FAC] =	sst s4  }
0xd: {  	[smem:$0x3FAD] =	sst s5  }
0xe: {  	[smem:$0x3FAE] =	sst s6  }
0xf: {  	[smem:$0x3FAF] =	sst s7  }
0x10: {  	[smem:$0x3FB0] =	sst s8  }
0x11: {  	[smem:$0x3FB1] =	sst s9;
	s0 =	simm.s32 @!p0 $0x0  }
0x12: {  	s1 =	sld [smem:$0x3F97];
	s0 =	simm.s32 @p0 $0x1  }
0x13: {  	[smem:$0x3FB2] =	sst s0;
	s0 =	simm.s32 @!p1 $0x0  }
0x14: {  	s2 =	sld [smem:$0x3F96];
	s0 =	simm.s32 @p1 $0x1  }
0x15: {  	[smem:$0x3FB3] =	sst s0;
	s0 =	simm.s32 @!p2 $0x0  }
0x16: {  	s3 =	sld [smem:$0x3FDB];
	s0 =	simm.s32 @p2 $0x1  }
0x17: {  	s4 =	simm.s32 $0x1BF5;
	[smem:$0x3FB5] =	sst s0  }
0x18: {  	s0 =	sld [smem:$0x3F98];
	_ =	swait.ge [sflag:s4], $0x0  }
0x19: {  	s7 =	sld [smem:$0x3F99]  }
0x1a: {  	s8 =	sadd.s32 $0xFFFFE003, lr  }
0x1b: {  	s9 =	sadd.s32 $0xFFFFFEF7, lr;
	s5 =	simm.s32 $0xFFFFFFFF;
	p2 =	slt.u32 s8, $0xFFFFF086  }
0x1c: {  	p1 =	slt.u32 s9, $0xF7A;
	s5 =	simm.s32 @!p2 $0x0  }
0x1d: {  	s5 =	simm.s32 @p1 $0x1;
	p0 =	seq.s32 s7, s2  }
0x1e: {  	s7 =	smul.u32 @!p0 $0xF7A, s2;
	p2 =	seq.s32 @!p0 s5, $0x0  }
0x1f: {  	s9 =	smul.u32 $0xF7A, s1;
	s8 =	simm.s32 @!p0 $0x1BF5;
	p2 =	por !p2, p0  }
0x20: {  	[sflag:s8] =	ssyncset.s32 @!p0 $0xFFFFF086;
	s6 =	sadd.s32 @!p0 s3, s7;
	s7 =	simm.s32 @!p0 $0x108  }
0x21: {  	s3 =	sadd.s32 s3, s9;
	s6 =	sadd.s32 @!p0 $0x88, s6;
	s7 =	simm.s32 @p2 $0x1082  }
0x22: {  	[simem:s7], [sflag:s8] =	dma.local @!p0 [hbm:s6], $0xF7A  }
0x23: {  	s9 =	sor.u32 $0xD0000000, s2;
	s6 =	simm.s32 $0x108;
	_ =	swait.ge @!p0 [sflag:s8], $0x0  }
0x24: {  	s3 =	sadd.s32 $0x88, s3;
	s6 =	simm.s32 @!p1 $0x1082;
	[sflag:s4] =	ssyncset.s32 $0xFFFFF086  }
0x25: {  	[simem:s6], [sflag:s4] =	dma.local [hbm:s3], $0xF7A  }
0x26: {  	[smem:$0x3F99] =	sst s1;
	(tag) =	ssettag s2;
	_ =	strace s9  }
0x27: {  	s1 =	sld [smem:$0x3FA9]  }
0x28: {  	s2 =	sld [smem:$0x3FAA]  }
0x29: {  	s4 =	sld [smem:$0x3FAC]  }
0x2a: {  	p0 =	seq.s32 s5, $0x0;
	s5 =	sld [smem:$0x3FAD]  }
0x2b: {  	s6 =	sld [smem:$0x3FAE]  }
0x2c: {  	s7 =	sld [smem:$0x3FAF]  }
0x2d: {  	s3 =	simm.s32 $0x108;
	s8 =	sld [smem:$0x3FB0]  }
0x2e: {  	s3 =	simm.s32 @!p0 $0x1082;
	s9 =	sld [smem:$0x3FB1]  }
0x2f: {  	lr =	sadd.s32 s0, s3;
	s0 =	sld [smem:$0x3FA8]  }
0x30: {  	s3 =	sld [smem:$0x3FAB]  }
0x31: {  	[smem:$0x3FB4] =	sst s10  }
0x32: {  	s10 =	sld [smem:$0x3FB2];
	_ =	sdelay $0x3  }
0x33: {  	p0 =	seq.s32 s10, $0x1;
	s10 =	sld [smem:$0x3FB4];
	_ =	sdelay $0x3  }
0x34: {  	[smem:$0x3FB4] =	sst s10  }
0x35: {  	s10 =	sld [smem:$0x3FB3];
	_ =	sdelay $0x3  }
0x36: {  	p1 =	seq.s32 s10, $0x1;
	s10 =	sld [smem:$0x3FB4];
	_ =	sdelay $0x3  }
0x37: {  	[smem:$0x3FB4] =	sst s10  }
0x38: {  	s10 =	sld [smem:$0x3FB5]  }
0x39: {  	_ = 	snop;
	(pc) =	sbr.ind lr, $3  }
0x3a: {  	_ = 	snop  }
0x3b: {  	_ = 	snop  }
0x3c: {  	p2 =	seq.s32 s10, $0x1;
	s10 =	sld [smem:$0x3FB4]  }
0x3d: {  	_ =	shalt  }
0x3e: {  	_ =	shalt  }
0x3f: {  	_ =	shalt  }
0x40: {  	_ =	shalt  }
0x41: {  	_ =	shalt  }
0x42: {  	_ =	shalt  }
0x43: {  	_ =	shalt  }
0x44: {  	_ =	shalt  }
0x45: {  	_ =	shalt  }
0x46: {  	_ =	shalt  }
0x47: {  	_ =	shalt  }
0x48: {  	_ =	shalt  }
0x49: {  	_ =	shalt  }
0x4a: {  	_ =	shalt  }
0x4b: {  	_ =	shalt  }
0x4c: {  	_ =	shalt  }
0x4d: {  	_ =	shalt  }
0x4e: {  	_ =	shalt  }
0x4f: {  	_ =	shalt  }
0x50: {  	_ =	shalt  }
0x51: {  	_ =	shalt  }
0x52: {  	_ =	shalt  }
0x53: {  	_ =	shalt  }
0x54: {  	_ =	shalt  }
0x55: {  	_ =	shalt  }
0x56: {  	_ =	shalt  }
0x57: {  	_ =	shalt  }
0x58: {  	_ =	shalt  }
0x59: {  	_ =	shalt  }
0x5a: {  	_ =	shalt  }
0x5b: {  	_ =	shalt  }
0x5c: {  	_ =	shalt  }
0x5d: {  	_ =	shalt  }
0x5e: {  	_ =	shalt  }
0x5f: {  	_ =	shalt  }
0x60: {  	_ =	shalt  }
0x61: {  	_ =	shalt  }
0x62: {  	_ =	shalt  }
0x63: {  	_ =	shalt  }
0x64: {  	_ =	shalt  }
0x65: {  	_ =	shalt  }
0x66: {  	_ =	shalt  }
0x67: {  	_ =	shalt  }
0x68: {  	_ =	shalt  }
0x69: {  	_ =	shalt  }
0x6a: {  	_ =	shalt  }
0x6b: {  	_ =	shalt  }
0x6c: {  	_ =	shalt  }
0x6d: {  	_ =	shalt  }
0x6e: {  	_ =	shalt  }
0x6f: {  	_ =	shalt  }
0x70: {  	_ =	shalt  }
0x71: {  	_ =	shalt  }
0x72: {  	_ =	shalt  }
0x73: {  	_ =	shalt  }
0x74: {  	_ =	shalt  }
0x75: {  	_ =	shalt  }
0x76: {  	_ =	shalt  }
0x77: {  	_ =	shalt  }
0x78: {  	_ =	shalt  }
0x79: {  	_ =	shalt  }
0x7a: {  	_ =	shalt  }
0x7b: {  	_ =	shalt  }
0x7c: {  	_ =	shalt  }
0x7d: {  	_ =	shalt  }
0x7e: {  	_ =	shalt  }
0x7f: {  	_ =	shalt  }
0x80: {  	_ =	shalt  }
0x81: {  	_ =	shalt  }
0x82: {  	_ =	shalt  }
0x83: {  	_ =	shalt  }
0x84: {  	_ =	shalt  }
0x85: {  	_ =	shalt  }
0x86: {  	_ =	shalt  }
0x87: {  	_ =	shalt  }
.Lfunc_end0:
.L_simem_size_0:
called_computation_lowered:
.L_overlay_start_0:
0x88: {  	s2 =	sld [smem:$0x3FD9]  }
0x89: {  	s3 =	sld [smem:$0x3FFE];
	_ =	sdelay $0x1  }
0x8a: {  	s1 =	srdreg.scid  }
0x8b: {  	s0 =	sand.u32 $0x1, s1  }
0x8c: {  	s16 =	sshll.u32 s0, $0xA;
	s2 =	sadd.s32 s3, s2  }
0x8d: {  	s2 =	sadd.s32 s2, s16  }
0x8e: {  	[smem:$0x3FC0] =	sst s2  }
0x8f: {  	_ = 	snop  }
0x90: {  	(tm) =	ssettm $0x1  }
0x91: {  	s17 =	sld [smem:$0x3FFB];
	_ =	sdelay $0x3  }
0x92: {  	_ =	strace s17  }
0x93: {  	s2 =	sld [smem:$0x3FFC];
	_ =	sdelay $0x3  }
0x94: {  	_ =	strace s2  }
0x95: {  	s2 =	sld [smem:$0x3FFD];
	_ =	sdelay $0x3  }
0x96: {  	_ =	strace s2  }
0x97: {  	_ =	strace $0x8FFFFFFF  }
0x98: {  	s18 =	sld [smem:$0x3FDB];
	_ =	sdelay $0x1  }
0x99: {  	s19 =	simm.s32 $_scs_section_size  }
0x9a: {  	s4 =	simm.s32 $_size__tile_overlayer_lowered;
	s5 =	simm.s32 $_tile_overlayer_lowered  }
0x9b: {  	s22 =	simm.s32 $0x1BFF;
	s21 =	sshll.u32 s5, $0x1;
	s2 =	sadd.s32 s19, s18  }
0x9c: {  	s6 =	simm.s32 $0x0;
	s20 =	sshll.u32 s4, $0x1;
	s4 =	sadd.s32 s21, s2  }
0x9d: {  	[timem:s6], [sflag:s22] =	dma.local [hbm:s4], s20  }
0x9e: {  	_ =	swait.ge [sflag:s22], s20  }
0x9f: {  	s3 =	ssub.s32 $0x0, s20;
	[sflag:s22] =	ssyncset.done $0x0  }
0xa0: {  	[sflag:s22] =	ssyncadd.s32 s3;
	_ =	sdelay $0x1  }
0xa1: {  	s23 =	simm.s32 $0x1B8B  }
0xa2: {  	_ =	swait.ge [sflag:s23], $0x1  }
0xa3: {  	[sflag:s23] =	ssyncset.done $0x0  }
0xa4: {  	s25 =	simm.s32 $0x1B8E;
	s24 =	sld [smem:$0x3FFE];
	[sflag:s23] =	ssyncadd.s32 $0xFFFFFFFF  }
0xa5: {  	s26 =	simm.s32 $execute0_lowered;
	[smem:$0x3FD2] =	sst s25  }
0xa6: {  	s4 =	sshll.u32 s26, $0x1;
	_ =	strace $0x80000046;
	[dreg:$0x1] =	wrdreg $0xFFFFFFFF  }
0xa7: {  	s28 =	simm.s32 $_size_execute0_lowered;
	s2 =	sadd.s32 s2, s4;
	[dreg:$0x0] =	wrdreg $0x0  }
0xa8: {  	s4 =	sshll.u32 s28, $0x1;
	[dreg:$0x2] =	wrdreg s2  }
0xa9: {  	[dreg:$0x3] =	wrdreg s4  }
0xaa: {  	[dreg:$0x4] =	wrdreg $0xC0  }
0xab: {  	_ =	task [dreg:s6], $0x5FFFF  }
0xac: {  	[dreg:$0x1] =	wrdreg $0xFFFFFFFF  }
0xad: {  	[dreg:$0x0] =	wrdreg $0x60  }
0xae: {  	[dreg:$0x2] =	wrdreg s24  }
0xaf: {  	[dreg:$0x3] =	wrdreg $0x51000  }
0xb0: {  	[dreg:$0x4] =	wrdreg $0x53800  }
0xb1: {  	[dreg:$0x5] =	wrdreg $0x9  }
0xb2: {  	_ =	task.clear_ibuf [dreg:s6], $0x6FFFF;
	_ =	strace $0x90000046  }
0xb3: {  	s29 =	simm.s32 $0x9;
	_ =	strace $0x80000048  }
0xb4: {  	_ =	swait.ge [sflag:s29], $0x1  }
0xb5: {  	[sflag:s29] =	ssyncadd.s32 $0xFFFFFFFF  }
0xb6: {  	_ =	strace $0x90000048  }
0xb7: {  	_ =	sfence  }
0xb8: {  	s30 =	sld [smem:$0x0];
	_ =	sdelay $0x2  }
0xb9: {  	s31 =	sshll.u32 s1, $0xD;
	s1 =	sshrl.u32 s1, $0x2  }
0xba: {  	s3 =	sand.u32 $0x4000, s31;
	s1 =	sadd.s32 s1, s30  }
0xbb: {  	s0 =	sor.u32 s3, s0;
	s1 =	sshll.u32 s1, $0x11  }
0xbc: {  	s0 =	sor.u32 s1, s0  }
0xbd: {  	s0 =	sadd.s32 $0x8F2B, s0  }
0xbe: {  	[sflag:s0] =	ssyncadd.remote.s32 $0x1  }
0xbf: {  	_ =	sfence.sel $0xFFFF  }
0xc0: {  	[dreg:$0x0] =	wrdreg $0xFFFFFFFF;
	(pc) =	sbr.abs _section_cstart, $3  }
0xc1: {  	[dreg:$0x1] =	wrdreg $0xFFFFFFFF  }
0xc2: {  	_ =	task.clear_ibuf [dreg:s6], $0x2FFFF;
	_ =	strace $0x9FFFFFFF  }
0xc3: {  	(tm) =	ssettm $0x7FFFFFFF  }
tec
execute0_lowered:
.L_overlay_start_1:
0x0: {  	(tag) =	ssettag $0x1  }
0x1: {  	s5 =	rddreg [dreg:$0x0]  }
0x2: {  	s2 =	rddreg [dreg:$0x1]  }
0x3: {  	s0 =	srdreg.scid;
	s3 =	rddreg [dreg:$0x2]  }
0x4: {  	s1 =	stileid.u32;
	s4 =	simm.s32 $0x0;
	s20 =	simm.s32 $0x5080  }
0x5: {  	s21 =	simm.s32 $0x1;
	s22 =	simm.s32 $0x2800;
	s23 =	simm.s32 $0x80  }
0x6: {  	s24 =	simm.s32 $0x5000;
	s25 =	simm.s32 $0x20;
	s26 =	simm.s32 $0x10  }
0x7: {  	s28 =	simm.s32 $0x0;
	s6 =	sand.u32 $0x1, s0;
	s9 =	smul.u32 $0x500, s1  }
0x8: {  	s7 =	sshll.u32 s1, $0x1;
	[smem:$0x7FF] =	sst s4;
	s16 =	smul.u32 $0x280, s1  }
0x9: {  	s8 =	smul.u32 $0x5000, s6;
	s7 =	sor.u32 s6, s7;
	s6 =	ssub.s32 $0x2, s6  }
0xa: {  	_ =	strace $0x80000047;
	s7 =	smul.u32 $0x500, s7;
	s31 =	sshrl.u32 s6, $0x1  }
0xb: {  	s13 =	sadd.s32 $0x80, s16;
	s15 =	sadd.s32 $0x100, s16;
	s17 =	sadd.s32 $0x180, s16  }
0xc: {  	s19 =	sadd.s32 $0x200, s16;
	s8 =	sadd.s32 s9, s8;
	s11 =	ssub.s32 s6, s31  }
0xd: {  	s12 =	sadd.s32 s13, s2;
	s13 =	sadd.s32 s13, s3;
	s14 =	sadd.s32 s15, s2  }
0xe: {  	s15 =	sadd.s32 s15, s3;
	s18 =	sadd.s32 s19, s2;
	s19 =	sadd.s32 s19, s3  }
0xf: {  	s7 =	sadd.s32 s7, s5;
	s8 =	sshrl.u32 s8, $0x3;
	s11 =	smax.u32 s11, $0x1  }
0x10: {  	s10 =	sadd.s32 s8, s5;
	s5 =	sadd.s32 $0xCE00, s7;
	s6 =	sadd.s32 $0x2E00, s7  }
0x11: {  	s8 =	sadd.s32 s16, s2;
	s7 =	sadd.s32 $0x16E00, s10;
	s9 =	sadd.s32 $0x16E10, s10  }
0x12: {  	v0 =	vimm.f32 $1.000000000e+00;
	v1 =	vimm.f32 $0.0e+00;
	s10 =	sadd.s32 s16, s3;
	s16 =	sadd.s32 s17, s2;
	s17 =	sadd.s32 s17, s3  }
.LBB2_1:
0x13: {  	[tilespmem:$0x5000] =	vst v0  }
0x14: {  	[tilespmem:$0x5080] =	vst v1  }
0x15: {  	[tilespmem:$0x5010] =	vst v0  }
0x16: {  	[tilespmem:$0x5090] =	vst v1  }
0x17: {  	[tilespmem:$0x5020] =	vst v0  }
0x18: {  	[tilespmem:$0x50A0] =	vst v1  }
0x19: {  	[tilespmem:$0x5030] =	vst v0  }
0x1a: {  	[tilespmem:$0x50B0] =	vst v1  }
0x1b: {  	[tilespmem:$0x5040] =	vst v0  }
0x1c: {  	[tilespmem:$0x50C0] =	vst v1  }
0x1d: {  	[tilespmem:$0x5050] =	vst v0  }
0x1e: {  	[tilespmem:$0x50D0] =	vst v1  }
0x1f: {  	[tilespmem:$0x5060] =	vst v0  }
0x20: {  	[tilespmem:$0x50E0] =	vst v1  }
0x21: {  	[tilespmem:$0x5070] =	vst v0  }
0x22: {  	[tilespmem:$0x50F0] =	vst v1  }
0x23: {  	[spmem:s8] =	stream.linear.scatter [tilespmem:s20], [sflag:$0x1], $0x80, $0x38;
	[tilespmem:$0x5600] =	vst v63  }
0x24: {  	_ =	swait.ge [sflag:s21], $0x80  }
0x25: {  	[sflag:s21] =	ssyncset.done $0x0  }
0x26: {  	[sflag:s21] =	ssyncadd.s32 $0xFFFFFF80  }
0x27: {  	[spmem:s10] =	stream.linear.scatter [tilespmem:s20], [sflag:$0x1], $0x80, $0x38;
	[tilespmem:$0x5600] =	vst v63  }
0x28: {  	_ =	swait.ge [sflag:s21], $0x80  }
0x29: {  	[sflag:s21] =	ssyncset.done $0x0  }
0x2a: {  	[sflag:s21] =	ssyncadd.s32 $0xFFFFFF80  }
0x2b: {  	[spmem:s12] =	stream.linear.scatter [tilespmem:s20], [sflag:$0x1], $0x80, $0x38;
	[tilespmem:$0x5600] =	vst v63  }
0x2c: {  	_ =	swait.ge [sflag:s21], $0x80  }
0x2d: {  	[sflag:s21] =	ssyncset.done $0x0  }
0x2e: {  	[sflag:s21] =	ssyncadd.s32 $0xFFFFFF80  }
0x2f: {  	[spmem:s13] =	stream.linear.scatter [tilespmem:s20], [sflag:$0x1], $0x80, $0x38;
	[tilespmem:$0x5600] =	vst v63  }
0x30: {  	_ =	swait.ge [sflag:s21], $0x80  }
0x31: {  	[sflag:s21] =	ssyncset.done $0x0  }
0x32: {  	[sflag:s21] =	ssyncadd.s32 $0xFFFFFF80  }
0x33: {  	[spmem:s14] =	stream.linear.scatter [tilespmem:s20], [sflag:$0x1], $0x80, $0x38;
	[tilespmem:$0x5600] =	vst v63  }
0x34: {  	_ =	swait.ge [sflag:s21], $0x80  }
0x35: {  	[sflag:s21] =	ssyncset.done $0x0  }
0x36: {  	[sflag:s21] =	ssyncadd.s32 $0xFFFFFF80  }
0x37: {  	[spmem:s15] =	stream.linear.scatter [tilespmem:s20], [sflag:$0x1], $0x80, $0x38;
	[tilespmem:$0x5600] =	vst v63  }
0x38: {  	_ =	swait.ge [sflag:s21], $0x80  }
0x39: {  	[sflag:s21] =	ssyncset.done $0x0  }
0x3a: {  	[sflag:s21] =	ssyncadd.s32 $0xFFFFFF80  }
0x3b: {  	[spmem:s16] =	stream.linear.scatter [tilespmem:s20], [sflag:$0x1], $0x80, $0x38;
	[tilespmem:$0x5600] =	vst v63  }
0x3c: {  	_ =	swait.ge [sflag:s21], $0x80  }
0x3d: {  	[sflag:s21] =	ssyncset.done $0x0  }
0x3e: {  	[sflag:s21] =	ssyncadd.s32 $0xFFFFFF80  }
0x3f: {  	[spmem:s17] =	stream.linear.scatter [tilespmem:s20], [sflag:$0x1], $0x80, $0x38;
	[tilespmem:$0x5600] =	vst v63  }
0x40: {  	_ =	swait.ge [sflag:s21], $0x80  }
0x41: {  	[sflag:s21] =	ssyncset.done $0x0  }
0x42: {  	[sflag:s21] =	ssyncadd.s32 $0xFFFFFF80  }
0x43: {  	[spmem:s18] =	stream.linear.scatter [tilespmem:s20], [sflag:$0x1], $0x80, $0x38;
	[tilespmem:$0x5600] =	vst v63  }
0x44: {  	_ =	swait.ge [sflag:s21], $0x80  }
0x45: {  	[sflag:s21] =	ssyncset.done $0x0  }
0x46: {  	[sflag:s21] =	ssyncadd.s32 $0xFFFFFF80  }
0x47: {  	[spmem:s19] =	stream.linear.scatter [tilespmem:s20], [sflag:$0x1], $0x80, $0x38;
	[tilespmem:$0x5600] =	vst v63  }
0x48: {  	_ =	swait.ge [sflag:s21], $0x80  }
0x49: {  	[sflag:s21] =	ssyncset.done $0x0  }
0x4a: {  	[sflag:s21] =	ssyncadd.s32 $0xFFFFFF80  }
0x4b: {  	[bflag:$0x0] =	sbarrier.arrive $0xFFFF  }
0x4c: {  	[tilespmem:s4], [sflag:$0x1] =	stream.linear.gather [hbm4b:s5+s4], $0x2780, $0x38;
	[tilespmem:$0x5600] =	vst v63  }
0x4d: {  	_ =	swait.ge [sflag:s21], $0x2780  }
0x4e: {  	[sflag:s21] =	ssyncset.done $0x0  }
0x4f: {  	[sflag:s21] =	ssyncadd.s32 $0xFFFFD880  }
0x50: {  	[tilespmem:s22], [sflag:$0x1] =	stream.linear.gather [hbm4b:s6+s4], $0x2780, $0x38;
	[tilespmem:$0x5600] =	vst v63  }
0x51: {  	_ =	swait.ge [sflag:s21], $0x2780  }
0x52: {  	[sflag:s21] =	ssyncset.done $0x0  }
0x53: {  	s29 =	simm.s32 $0x0;
	[sflag:s21] =	ssyncadd.s32 $0xFFFFD880  }
0x54: {  	[spmem:s2] =	stream.indirect.scatter.add.f32 [tilespmem:s24], [sflag:$0x1], $0x1, s29, s23, $0xb8;
	[tilespmem:$0x5600] =	vst v63  }
0x55: {  	_ =	swait.ge [sflag:s21], $0x80  }
0x56: {  	[sflag:s21] =	ssyncset.done $0x0  }
0x57: {  	s29 =	simm.s32 $0x2800;
	[sflag:s21] =	ssyncadd.s32 $0xFFFFFF80  }
0x58: {  	[spmem:s3] =	stream.indirect.scatter.add.f32 [tilespmem:s24], [sflag:$0x1], $0x1, s29, s23, $0xb8;
	[tilespmem:$0x5600] =	vst v63  }
0x59: {  	_ =	swait.ge [sflag:s21], $0x80  }
0x5a: {  	s30 =	simm.s32 $0x400;
	s29 =	simm.s32 $0x200;
	[sflag:s21] =	ssyncset.done $0x0  }
.LBB2_2:
0x5b: {  	s31 =	sshra.s32 s29, $0x2  }
0x5c: {  	[sflag:s21] =	ssyncadd.s32 $0xFFFFFF80;
	s29 =	smov.u32 s30;
	s0 =	sadd.s32 $0x200, s30  }
0x5d: {  	[spmem:s2] =	stream.indirect.scatter.add.f32 [tilespmem:s24], [sflag:$0x1], $0x1, s31, s23, $0xb8;
	[tilespmem:$0x5600] =	vst v63  }
0x5e: {  	p0 =	sne.s32 s30, $0x9C00;
	_ =	swait.ge [sflag:s21], $0x80  }
.Ltmp0:
0x5f: {  	[sflag:s21] =	ssyncset.done $0x0;
	(pc) =	sbr.rel @p0 .LBB2_2-.Ltmp0, $4  }
0x60: {  	s30 =	sadd.s32 $0x2800, s31;
	[sflag:s21] =	ssyncadd.s32 $0xFFFFFF80  }
0x61: {  	[spmem:s3] =	stream.indirect.scatter.add.f32 [tilespmem:s24], [sflag:$0x1], $0x1, s30, s23, $0xb8;
	[tilespmem:$0x5600] =	vst v63  }
0x62: {  	_ =	swait.ge [sflag:s21], $0x80  }
0x63: {  	s30 =	smov.u32 s0;
	[sflag:s21] =	ssyncset.done $0x0  }
0x64: {  	s0 =	sshra.s32 s29, $0x2;
	[sflag:s21] =	ssyncadd.s32 $0xFFFFFF80  }
0x65: {  	[spmem:s2] =	stream.indirect.scatter.add.f32 [tilespmem:s24], [sflag:$0x1], $0x1, s0, s23, $0xb8;
	[tilespmem:$0x5600] =	vst v63  }
0x66: {  	_ =	swait.ge [sflag:s21], $0x80  }
0x67: {  	[sflag:s21] =	ssyncset.done $0x0  }
0x68: {  	s0 =	sadd.s32 $0x2800, s0;
	[sflag:s21] =	ssyncadd.s32 $0xFFFFFF80  }
0x69: {  	[spmem:s3] =	stream.indirect.scatter.add.f32 [tilespmem:s24], [sflag:$0x1], $0x1, s0, s23, $0xb8;
	[tilespmem:$0x5600] =	vst v63  }
0x6a: {  	_ =	swait.ge [sflag:s21], $0x80  }
0x6b: {  	[sflag:s21] =	ssyncset.done $0x0  }
0x6c: {  	s29 =	sshll.u32 s1, $0x6;
	[sflag:s21] =	ssyncadd.s32 $0xFFFFFF80  }
0x6d: {  	s30 =	sshrl.u32 s8, $0x3;
	s0 =	sor.u32 $0x1C01, s29;
	[bflag:$0x0] =	sbarrier.arrive $0xFFFF  }
0x6e: {  	[hbm:s7@s25], [sflag:s0] =	dma.strided [spmem:s30@s26], $0x50, s21, $0x10   }
0x6f: {  	s28 =	sadd.s32 $0x1, s28;
	_ =	swait.ge [sflag:s21], $0x50  }
0x70: {  	p0 =	sne.s32 s28, s11;
	[sflag:s21] =	ssyncset.done $0x0  }
.Ltmp1:
0x71: {  	s31 =	sshrl.u32 s10, $0x3;
	[sflag:s21] =	ssyncadd.s32 $0xFFFFFFB0;
	(pc) =	sbr.rel @p0 .LBB2_1-.Ltmp1, $4  }
0x72: {  	[hbm:s9@s25], [sflag:s0] =	dma.strided [spmem:s31@s26], $0x50, s21, $0x10   }
0x73: {  	_ =	swait.ge [sflag:s21], $0x50  }
0x74: {  	[sflag:s21] =	ssyncset.done $0x0  }
0x75: {  	[sflag:s21] =	ssyncadd.s32 $0xFFFFFFB0  }
0x76: {  	_ =	sfence.sel $0x180000  }
0x77: {  	[bflag:$0x0] =	sbarrier.arrive $0xFFFF  }
0x78: {  	_ =	strace $0x90000047  }
0x79: {  	[bflag:$0x2] =	sbarrier.arrive $0xFFFF  }
0x7a: {  	p0 =	sne.s32 s1, $0x0;
	s0 =	rddreg [dreg:$0x3]  }
0x7b: {  	s0 =	sadd.s32 @!p0 $0x100000, s0  }
0x7c: {  	[sflag:s0] =	ssyncadd.tile.s32 @!p0 $0x1;
	_ =	shalt  }
.Lfunc_end2:
_tile_overlayer_lowered:
.L_overlay_start_2:
0x7d: {  	(tag) =	ssettag $0x2  }
0x7e: {  	s0 =	rddreg [dreg:$0x0];
	s2 =	stileid.u32  }
0x7f: {  	s1 =	rddreg [dreg:$0x1];
	p0 =	sne.s32 s2, $0x0  }
0x80: {  	s3 =	rddreg [dreg:$0x2];
	[bflag:$0x3] =	sbarrier.arrive $0xFFFF;
	s2 =	simm.s32 @!p0 $0x1C01  }
0x81: {  	[timem:s3], [sflag:s2] =	dma.local @!p0 [hbm:s0], s1  }
0x82: {  	s0 =	simm.s32 @!p0 $0x1  }
0x83: {  	_ =	swait.ge @!p0 [sflag:s0], s1  }
0x84: {  	s1 =	ssub.s32 @!p0 $0x0, s1;
	[sflag:s0] =	ssyncset.done @!p0 $0x0  }
0x85: {  	[sflag:s0] =	ssyncadd.s32 @!p0 s1  }
0x86: {  	[bflag:$0x3] =	sbarrier.arrive $0xFFFF  }
0x87: {  	_ =	shalt  }

// kernel: kernel.13.cloned.1.call-start
scs
__scs_entry_jumppad:
0x0: {  	(pc) =	sbr.rel $0x88, $3  }
0x1: {  	(tag) =	ssettag $0x0;
	lr =	simm.s32 $0x1  }
0x2: {  	[smem:$0x3F99] =	sst lr;
	_ =	strace $0xD0000000  }
0x3: {  	_ = 	snop  }
0x4: {  	_ = 	snop  }
0x5: {  	_ = 	snop  }
0x6: {  	_ = 	snop  }
0x7: {  	_ = 	snop  }
__scs_overlays_trampoline_lowered:
0x8: {  	[smem:$0x3FA8] =	sst s0  }
0x9: {  	[smem:$0x3FA9] =	sst s1  }
0xa: {  	[smem:$0x3FAA] =	sst s2  }
0xb: {  	[smem:$0x3FAB] =	sst s3  }
0xc: {  	[smem:$0x3FAC] =	sst s4  }
0xd: {  	[smem:$0x3FAD] =	sst s5  }
0xe: {  	[smem:$0x3FAE] =	sst s6  }
0xf: {  	[smem:$0x3FAF] =	sst s7  }
0x10: {  	[smem:$0x3FB0] =	sst s8  }
0x11: {  	[smem:$0x3FB1] =	sst s9;
	s0 =	simm.s32 @!p0 $0x0  }
0x12: {  	s1 =	sld [smem:$0x3F97];
	s0 =	simm.s32 @p0 $0x1  }
0x13: {  	[smem:$0x3FB2] =	sst s0;
	s0 =	simm.s32 @!p1 $0x0  }
0x14: {  	s2 =	sld [smem:$0x3F96];
	s0 =	simm.s32 @p1 $0x1  }
0x15: {  	[smem:$0x3FB3] =	sst s0;
	s0 =	simm.s32 @!p2 $0x0  }
0x16: {  	s3 =	sld [smem:$0x3FDB];
	s0 =	simm.s32 @p2 $0x1  }
0x17: {  	s4 =	simm.s32 $0x1BF5;
	[smem:$0x3FB5] =	sst s0  }
0x18: {  	s0 =	sld [smem:$0x3F98];
	_ =	swait.ge [sflag:s4], $0x0  }
0x19: {  	s7 =	sld [smem:$0x3F99]  }
0x1a: {  	s8 =	sadd.s32 $0xFFFFE003, lr  }
0x1b: {  	s9 =	sadd.s32 $0xFFFFFEF7, lr;
	s5 =	simm.s32 $0xFFFFFFFF;
	p2 =	slt.u32 s8, $0xFFFFF086  }
0x1c: {  	p1 =	slt.u32 s9, $0xF7A;
	s5 =	simm.s32 @!p2 $0x0  }
0x1d: {  	s5 =	simm.s32 @p1 $0x1;
	p0 =	seq.s32 s7, s2  }
0x1e: {  	s7 =	smul.u32 @!p0 $0xF7A, s2;
	p2 =	seq.s32 @!p0 s5, $0x0  }
0x1f: {  	s9 =	smul.u32 $0xF7A, s1;
	s8 =	simm.s32 @!p0 $0x1BF5;
	p2 =	por !p2, p0  }
0x20: {  	[sflag:s8] =	ssyncset.s32 @!p0 $0xFFFFF086;
	s6 =	sadd.s32 @!p0 s3, s7;
	s7 =	simm.s32 @!p0 $0x108  }
0x21: {  	s3 =	sadd.s32 s3, s9;
	s6 =	sadd.s32 @!p0 $0x88, s6;
	s7 =	simm.s32 @p2 $0x1082  }
0x22: {  	[simem:s7], [sflag:s8] =	dma.local @!p0 [hbm:s6], $0xF7A  }
0x23: {  	s9 =	sor.u32 $0xD0000000, s2;
	s6 =	simm.s32 $0x108;
	_ =	swait.ge @!p0 [sflag:s8], $0x0  }
0x24: {  	s3 =	sadd.s32 $0x88, s3;
	s6 =	simm.s32 @!p1 $0x1082;
	[sflag:s4] =	ssyncset.s32 $0xFFFFF086  }
0x25: {  	[simem:s6], [sflag:s4] =	dma.local [hbm:s3], $0xF7A  }
0x26: {  	[smem:$0x3F99] =	sst s1;
	(tag) =	ssettag s2;
	_ =	strace s9  }
0x27: {  	s1 =	sld [smem:$0x3FA9]  }
0x28: {  	s2 =	sld [smem:$0x3FAA]  }
0x29: {  	s4 =	sld [smem:$0x3FAC]  }
0x2a: {  	p0 =	seq.s32 s5, $0x0;
	s5 =	sld [smem:$0x3FAD]  }
0x2b: {  	s6 =	sld [smem:$0x3FAE]  }
0x2c: {  	s7 =	sld [smem:$0x3FAF]  }
0x2d: {  	s3 =	simm.s32 $0x108;
	s8 =	sld [smem:$0x3FB0]  }
0x2e: {  	s3 =	simm.s32 @!p0 $0x1082;
	s9 =	sld [smem:$0x3FB1]  }
0x2f: {  	lr =	sadd.s32 s0, s3;
	s0 =	sld [smem:$0x3FA8]  }
0x30: {  	s3 =	sld [smem:$0x3FAB]  }
0x31: {  	[smem:$0x3FB4] =	sst s10  }
0x32: {  	s10 =	sld [smem:$0x3FB2];
	_ =	sdelay $0x3  }
0x33: {  	p0 =	seq.s32 s10, $0x1;
	s10 =	sld [smem:$0x3FB4];
	_ =	sdelay $0x3  }
0x34: {  	[smem:$0x3FB4] =	sst s10  }
0x35: {  	s10 =	sld [smem:$0x3FB3];
	_ =	sdelay $0x3  }
0x36: {  	p1 =	seq.s32 s10, $0x1;
	s10 =	sld [smem:$0x3FB4];
	_ =	sdelay $0x3  }
0x37: {  	[smem:$0x3FB4] =	sst s10  }
0x38: {  	s10 =	sld [smem:$0x3FB5]  }
0x39: {  	_ = 	snop;
	(pc) =	sbr.ind lr, $3  }
0x3a: {  	_ = 	snop  }
0x3b: {  	_ = 	snop  }
0x3c: {  	p2 =	seq.s32 s10, $0x1;
	s10 =	sld [smem:$0x3FB4]  }
0x3d: {  	_ =	shalt  }
0x3e: {  	_ =	shalt  }
0x3f: {  	_ =	shalt  }
0x40: {  	_ =	shalt  }
0x41: {  	_ =	shalt  }
0x42: {  	_ =	shalt  }
0x43: {  	_ =	shalt  }
0x44: {  	_ =	shalt  }
0x45: {  	_ =	shalt  }
0x46: {  	_ =	shalt  }
0x47: {  	_ =	shalt  }
0x48: {  	_ =	shalt  }
0x49: {  	_ =	shalt  }
0x4a: {  	_ =	shalt  }
0x4b: {  	_ =	shalt  }
0x4c: {  	_ =	shalt  }
0x4d: {  	_ =	shalt  }
0x4e: {  	_ =	shalt  }
0x4f: {  	_ =	shalt  }
0x50: {  	_ =	shalt  }
0x51: {  	_ =	shalt  }
0x52: {  	_ =	shalt  }
0x53: {  	_ =	shalt  }
0x54: {  	_ =	shalt  }
0x55: {  	_ =	shalt  }
0x56: {  	_ =	shalt  }
0x57: {  	_ =	shalt  }
0x58: {  	_ =	shalt  }
0x59: {  	_ =	shalt  }
0x5a: {  	_ =	shalt  }
0x5b: {  	_ =	shalt  }
0x5c: {  	_ =	shalt  }
0x5d: {  	_ =	shalt  }
0x5e: {  	_ =	shalt  }
0x5f: {  	_ =	shalt  }
0x60: {  	_ =	shalt  }
0x61: {  	_ =	shalt  }
0x62: {  	_ =	shalt  }
0x63: {  	_ =	shalt  }
0x64: {  	_ =	shalt  }
0x65: {  	_ =	shalt  }
0x66: {  	_ =	shalt  }
0x67: {  	_ =	shalt  }
0x68: {  	_ =	shalt  }
0x69: {  	_ =	shalt  }
0x6a: {  	_ =	shalt  }
0x6b: {  	_ =	shalt  }
0x6c: {  	_ =	shalt  }
0x6d: {  	_ =	shalt  }
0x6e: {  	_ =	shalt  }
0x6f: {  	_ =	shalt  }
0x70: {  	_ =	shalt  }
0x71: {  	_ =	shalt  }
0x72: {  	_ =	shalt  }
0x73: {  	_ =	shalt  }
0x74: {  	_ =	shalt  }
0x75: {  	_ =	shalt  }
0x76: {  	_ =	shalt  }
0x77: {  	_ =	shalt  }
0x78: {  	_ =	shalt  }
0x79: {  	_ =	shalt  }
0x7a: {  	_ =	shalt  }
0x7b: {  	_ =	shalt  }
0x7c: {  	_ =	shalt  }
0x7d: {  	_ =	shalt  }
0x7e: {  	_ =	shalt  }
0x7f: {  	_ =	shalt  }
0x80: {  	_ =	shalt  }
0x81: {  	_ =	shalt  }
0x82: {  	_ =	shalt  }
0x83: {  	_ =	shalt  }
0x84: {  	_ =	shalt  }
0x85: {  	_ =	shalt  }
0x86: {  	_ =	shalt  }
0x87: {  	_ =	shalt  }
.Lfunc_end0:
.L_simem_size_0:
called_computation.1_lowered:
.L_overlay_start_0:
0x88: {  	s2 =	sld [smem:$0x3FD9]  }
0x89: {  	s3 =	sld [smem:$0x3FFE];
	_ =	sdelay $0x1  }
0x8a: {  	s1 =	srdreg.scid  }
0x8b: {  	s0 =	sand.u32 $0x1, s1  }
0x8c: {  	s17 =	sshll.u32 s0, $0xA;
	s2 =	sadd.s32 s3, s2  }
0x8d: {  	s2 =	sadd.s32 s2, s17  }
0x8e: {  	[smem:$0x3FC0] =	sst s2  }
0x8f: {  	_ = 	snop  }
0x90: {  	s2 =	sld [smem:$0x3FD0];
	(tm) =	ssettm $0x1  }
0x91: {  	s18 =	sld [smem:$0x3FFB];
	_ =	sdelay $0x3  }
0x92: {  	_ =	strace s18  }
0x93: {  	s3 =	sld [smem:$0x3FFC];
	_ =	sdelay $0x3  }
0x94: {  	_ =	strace s3  }
0x95: {  	s3 =	sld [smem:$0x3FFD];
	_ =	sdelay $0x3  }
0x96: {  	_ =	strace s3  }
0x97: {  	_ =	strace $0x8FFFFFFF  }
0x98: {  	s19 =	sld [smem:$0x3FDB];
	_ =	sdelay $0x1  }
0x99: {  	s4 =	simm.s32 $_scs_section_size  }
0x9a: {  	s5 =	simm.s32 $_size__tile_overlayer_lowered;
	s6 =	simm.s32 $_tile_overlayer_lowered  }
0x9b: {  	s22 =	simm.s32 $0x1BFF;
	s21 =	sshll.u32 s6, $0x1;
	s3 =	sadd.s32 s4, s19  }
0x9c: {  	s7 =	simm.s32 $0x0;
	s20 =	sshll.u32 s5, $0x1;
	s5 =	sadd.s32 s21, s3  }
0x9d: {  	[timem:s7], [sflag:s22] =	dma.local [hbm:s5], s20  }
0x9e: {  	_ =	swait.ge [sflag:s22], s20  }
0x9f: {  	s4 =	ssub.s32 $0x0, s20;
	[sflag:s22] =	ssyncset.done $0x0  }
0xa0: {  	[sflag:s22] =	ssyncadd.s32 s4;
	_ =	sdelay $0x1  }
0xa1: {  	s23 =	simm.s32 $0x1B8B  }
0xa2: {  	_ =	swait.ge [sflag:s23], $0x1  }
0xa3: {  	[sflag:s23] =	ssyncset.done $0x0  }
0xa4: {  	s25 =	simm.s32 $0x1B8E;
	s24 =	sld [smem:$0x3FFE];
	[sflag:s23] =	ssyncadd.s32 $0xFFFFFFFF  }
0xa5: {  	s26 =	simm.s32 $execute0_lowered;
	[smem:$0x3FD2] =	sst s25  }
0xa6: {  	s5 =	sshll.u32 s26, $0x1;
	_ =	strace $0x80000049;
	[dreg:$0x1] =	wrdreg $0xFFFFFFFF  }
0xa7: {  	s28 =	simm.s32 $_size_execute0_lowered;
	s3 =	sadd.s32 s3, s5;
	[dreg:$0x0] =	wrdreg $0x0  }
0xa8: {  	s5 =	sshll.u32 s28, $0x1;
	[dreg:$0x2] =	wrdreg s3  }
0xa9: {  	[dreg:$0x3] =	wrdreg s5  }
0xaa: {  	[dreg:$0x4] =	wrdreg $0xC0  }
0xab: {  	_ =	task [dreg:s7], $0x5FFFF  }
0xac: {  	[dreg:$0x1] =	wrdreg $0xFFFFFFFF  }
0xad: {  	[dreg:$0x0] =	wrdreg $0x60  }
0xae: {  	[dreg:$0x2] =	wrdreg s24  }
0xaf: {  	[dreg:$0x3] =	wrdreg s2  }
0xb0: {  	[dreg:$0x4] =	wrdreg $0x98000  }
0xb1: {  	[dreg:$0x5] =	wrdreg $0x9  }
0xb2: {  	_ =	task.clear_ibuf [dreg:s7], $0x6FFFF;
	_ =	strace $0x90000049  }
0xb3: {  	s29 =	simm.s32 $0x9;
	_ =	strace $0x8000004B  }
0xb4: {  	_ =	swait.ge [sflag:s29], $0x1  }
0xb5: {  	[sflag:s29] =	ssyncadd.s32 $0xFFFFFFFF  }
0xb6: {  	_ =	strace $0x9000004B  }
0xb7: {  	_ =	sfence  }
0xb8: {  	s30 =	sld [smem:$0x0];
	_ =	sdelay $0x2  }
0xb9: {  	s31 =	sshll.u32 s1, $0xD;
	s1 =	sshrl.u32 s1, $0x2  }
0xba: {  	s3 =	sand.u32 $0x4000, s31;
	s1 =	sadd.s32 s1, s30  }
0xbb: {  	s0 =	sor.u32 s3, s0;
	s1 =	sshll.u32 s1, $0x11  }
0xbc: {  	s0 =	sor.u32 s1, s0  }
0xbd: {  	s0 =	sadd.s32 $0x8F2B, s0  }
0xbe: {  	[sflag:s0] =	ssyncadd.remote.s32 $0x1  }
0xbf: {  	_ =	sfence.sel $0xFFFF  }
0xc0: {  	[dreg:$0x0] =	wrdreg $0xFFFFFFFF;
	(pc) =	sbr.abs _section_cstart, $3  }
0xc1: {  	[dreg:$0x1] =	wrdreg $0xFFFFFFFF  }
0xc2: {  	_ =	task.clear_ibuf [dreg:s7], $0x2FFFF;
	_ =	strace $0x9FFFFFFF  }
0xc3: {  	(tm) =	ssettm $0x7FFFFFFF  }
tec
execute0_lowered:
.L_overlay_start_1:
0x0: {  	(tag) =	ssettag $0x1  }
0x1: {  	s5 =	rddreg [dreg:$0x0]  }
0x2: {  	s6 =	rddreg [dreg:$0x1];
	s1 =	srdreg.scid  }
0x3: {  	s0 =	stileid.u32;
	s2 =	rddreg [dreg:$0x2];
	s3 =	simm.s32 $0x0  }
0x4: {  	s15 =	simm.s32 $0x5800;
	s16 =	simm.s32 $0x1;
	s4 =	smul.u32 $0x5800, s0  }
0x5: {  	s17 =	simm.s32 $0x80;
	s20 =	simm.s32 $0x0;
	s10 =	smul.u32 $0x14000, s0  }
0x6: {  	s7 =	sand.u32 $0x1, s1;
	s1 =	rddreg [dreg:$0x3];
	s11 =	smul.u32 $0x50000, s0  }
0x7: {  	[smem:$0x7FF] =	sst s3;
	s18 =	sshll.u32 s0, $0x6;
	s8 =	smul.u32 $0x2C00, s7  }
0x8: {  	s9 =	smul.u32 $0x140000, s7;
	_ =	strace $0x8000004A;
	s31 =	ssub.s32 $0x2, s7  }
0x9: {  	p0 =	seq.s32 s7, $0x0;
	s7 =	simm.s32 $0x57;
	s18 =	sor.u32 $0x1C01, s18  }
0xa: {  	s13 =	sshrl.u32 s31, $0x1;
	s11 =	sshrl.u32 s11, $0x2;
	s7 =	simm.s32 @!p0 $0x46  }
0xb: {  	s8 =	sadd.s32 s8, s4;
	s4 =	sadd.s32 $0x23200, s5;
	s9 =	sadd.s32 s10, s9  }
0xc: {  	s10 =	ssub.s32 s31, s13;
	s8 =	sshrl.u32 s8, $0x3;
	s9 =	sshrl.u32 s9, $0x3  }
0xd: {  	s10 =	smax.u32 s10, $0x1;
	s12 =	sadd.s32 s8, s5;
	s9 =	sadd.s32 s9, s5  }
0xe: {  	s5 =	sadd.s32 s11, s2;
	s6 =	sadd.s32 s6, s8;
	s8 =	sadd.s32 $0x18200, s12  }
0xf: {  	s9 =	sadd.s32 $0x4B200, s9;
	s11 =	sadd.s32 $0x4000, s5;
	s12 =	sadd.s32 $0x8000, s5  }
0x10: {  	v0 =	vimm.f32 $0.0e+00;
	s13 =	sadd.s32 $0xC000, s5;
	s14 =	sadd.s32 $0x10000, s5;
	s19 =	sshrl.u32 s5, $0x3  }
.LBB2_1:
0x11: {  	s21 =	sand.u32 $0xFE00, s3  }
0x12: {  	s22 =	sand.u32 $0x70, s3;
	s23 =	sshrl.u32 s21, $0x2  }
0x13: {  	s21 =	simm.s32 $0x40;
	s23 =	sor.u32 s22, s23;
	s22 =	simm.s32 $0x0  }
.LBB2_2:
0x14: {  	p0 =	sne.s32 s21, $0xFFC0  }
0x15: {  	[tilespmem:s23+$0x5800] =	vst v0;
	s22 =	sadd.s32 $0x10, s22;
	s23 =	smov.u32 s21;
	s21 =	sadd.s32 $0x40, s21  }
.Ltmp0:
0x16: {  	(pc) =	sbr.rel @p0 .LBB2_2-.Ltmp0, $4  }
0x17: {  	_ = 	snop  }
0x18: {  	s23 =	sand.u32 $0xFE00, s23  }
0x19: {  	s24 =	sand.u32 $0x70, s22;
	s23 =	sshrl.u32 s23, $0x2  }
0x1a: {  	s23 =	sor.u32 s24, s23  }
0x1b: {  	[tilespmem:s23+$0x5800] =	vst v0  }
0x1c: {  	[spmem:s5] =	stream.linear.scatter [tilespmem:s15], [sflag:$0x1], $0x4000, $0x38;
	[tilespmem:$0x1D800] =	vst v63  }
0x1d: {  	_ =	swait.ge [sflag:s16], $0x4000  }
0x1e: {  	[sflag:s16] =	ssyncset.done $0x0  }
0x1f: {  	[sflag:s16] =	ssyncadd.s32 $0xFFFFC000  }
0x20: {  	[spmem:s11] =	stream.linear.scatter [tilespmem:s15], [sflag:$0x1], $0x4000, $0x38;
	[tilespmem:$0x1D800] =	vst v63  }
0x21: {  	_ =	swait.ge [sflag:s16], $0x4000  }
0x22: {  	[sflag:s16] =	ssyncset.done $0x0  }
0x23: {  	[sflag:s16] =	ssyncadd.s32 $0xFFFFC000  }
0x24: {  	[spmem:s12] =	stream.linear.scatter [tilespmem:s15], [sflag:$0x1], $0x4000, $0x38;
	[tilespmem:$0x1D800] =	vst v63  }
0x25: {  	_ =	swait.ge [sflag:s16], $0x4000  }
0x26: {  	[sflag:s16] =	ssyncset.done $0x0  }
0x27: {  	[sflag:s16] =	ssyncadd.s32 $0xFFFFC000  }
0x28: {  	[spmem:s13] =	stream.linear.scatter [tilespmem:s15], [sflag:$0x1], $0x4000, $0x38;
	[tilespmem:$0x1D800] =	vst v63  }
0x29: {  	_ =	swait.ge [sflag:s16], $0x4000  }
0x2a: {  	[sflag:s16] =	ssyncset.done $0x0  }
0x2b: {  	[sflag:s16] =	ssyncadd.s32 $0xFFFFC000  }
0x2c: {  	[spmem:s14] =	stream.linear.scatter [tilespmem:s15], [sflag:$0x1], $0x4000, $0x38;
	[tilespmem:$0x1D800] =	vst v63  }
0x2d: {  	_ =	swait.ge [sflag:s16], $0x4000  }
0x2e: {  	[sflag:s16] =	ssyncset.done $0x0  }
0x2f: {  	[sflag:s16] =	ssyncadd.s32 $0xFFFFC000  }
0x30: {  	s21 =	simm.s32 $0x0;
	[bflag:$0x0] =	sbarrier.arrive $0xFFFF  }
0x31: {  	[tilespmem:s21], [sflag:$0x1] =	stream.linear.gather [hbm4b:s6+s21], $0x2C00, $0x38;
	[tilespmem:$0x1D800] =	vst v63  }
0x32: {  	_ =	swait.ge [sflag:s16], $0x2C00  }
0x33: {  	[sflag:s16] =	ssyncset.done $0x0  }
0x34: {  	s22 =	simm.s32 $0x2C00;
	[sflag:s16] =	ssyncadd.s32 $0xFFFFD400  }
0x35: {  	[tilespmem:s22], [sflag:$0x1] =	stream.linear.gather [hbm4b:s8+s21], $0x2C00, $0x38;
	[tilespmem:$0x1D800] =	vst v63  }
0x36: {  	_ =	swait.ge [sflag:s16], $0x2C00  }
0x37: {  	[sflag:s16] =	ssyncset.done $0x0  }
0x38: {  	[sflag:s16] =	ssyncadd.s32 $0xFFFFD400  }
0x39: {  	[tilespmem:s15], [sflag:$0x1] =	stream.indirect.gather [hbm4b:s4+s17], $0x80, s21, s17, $0xb8;
	[tilespmem:$0x1D800] =	vst v63  }
0x3a: {  	p0 =	sne.s32 s7, $0x1;
	_ =	swait.ge [sflag:s16], $0x4000  }
.Ltmp1:
0x3b: {  	[sflag:s16] =	ssyncset.done $0x0;
	(pc) =	sbr.rel @!p0 .LBB2_5-.Ltmp1, $4  }
0x3c: {  	[sflag:s16] =	ssyncadd.s32 $0xFFFFC000  }
0x3d: {  	[spmem:s2] =	stream.indirect.scatter.add.f32 [tilespmem:s15], [sflag:$0x1], $0x80, s22, s17, $0xb8;
	[tilespmem:$0x1D800] =	vst v63  }
0x3e: {  	_ =	swait.ge [sflag:s16], $0x4000  }
0x3f: {  	s23 =	sadd.s32 $0xFFFFFFFF, s7;
	[sflag:s16] =	ssyncset.done $0x0  }
.LBB2_4:
0x40: {  	[sflag:s16] =	ssyncadd.s32 $0xFFFFC000;
	s21 =	sadd.s32 $0x80, s21;
	s22 =	sadd.s32 $0x80, s22  }
0x41: {  	[tilespmem:s15], [sflag:$0x1] =	stream.indirect.gather [hbm4b:s4+s17], $0x80, s21, s17, $0xb8;
	[tilespmem:$0x1D800] =	vst v63  }
0x42: {  	p0 =	sne.s32 s23, $0x1;
	s23 =	sadd.s32 $0xFFFFFFFF, s23;
	_ =	swait.ge [sflag:s16], $0x4000  }
.Ltmp2:
0x43: {  	[sflag:s16] =	ssyncset.done $0x0;
	(pc) =	sbr.rel @p0 .LBB2_4-.Ltmp2, $4  }
0x44: {  	[sflag:s16] =	ssyncadd.s32 $0xFFFFC000  }
0x45: {  	[spmem:s2] =	stream.indirect.scatter.add.f32 [tilespmem:s15], [sflag:$0x1], $0x80, s22, s17, $0xb8;
	[tilespmem:$0x1D800] =	vst v63  }
0x46: {  	_ =	swait.ge [sflag:s16], $0x4000  }
0x47: {  	[sflag:s16] =	ssyncset.done $0x0  }
.LBB2_5:
0x48: {  	s20 =	sadd.s32 $0x1, s20  }
0x49: {  	[sflag:s16] =	ssyncadd.s32 $0xFFFFC000;
	p0 =	sne.s32 s20, s10  }
.Ltmp3:
0x4a: {  	[bflag:$0x0] =	sbarrier.arrive $0xFFFF;
	(pc) =	sbr.rel @p0 .LBB2_1-.Ltmp3, $4  }
0x4b: {  	[hbm:s9], [sflag:s18] =	dma.local [spmem:s19], $0x2800  }
0x4c: {  	_ =	swait.ge [sflag:s16], $0x2800  }
0x4d: {  	[sflag:s16] =	ssyncset.done $0x0  }
0x4e: {  	[sflag:s16] =	ssyncadd.s32 $0xFFFFD800  }
0x4f: {  	_ =	sfence.sel $0x180000  }
0x50: {  	[bflag:$0x0] =	sbarrier.arrive $0xFFFF  }
0x51: {  	p0 =	sne.s32 s0, $0x0;
	_ =	strace $0x9000004A  }
0x52: {  	s0 =	sadd.s32 @!p0 $0x100000, s1;
	[bflag:$0x2] =	sbarrier.arrive $0xFFFF  }
0x53: {  	[sflag:s0] =	ssyncadd.tile.s32 @!p0 $0x1;
	_ =	shalt  }
.Lfunc_end2:
_tile_overlayer_lowered:
.L_overlay_start_2:
0x54: {  	(tag) =	ssettag $0x2  }
0x55: {  	s0 =	rddreg [dreg:$0x0];
	s2 =	stileid.u32  }
0x56: {  	s1 =	rddreg [dreg:$0x1];
	p0 =	sne.s32 s2, $0x0  }
0x57: {  	s3 =	rddreg [dreg:$0x2];
	[bflag:$0x3] =	sbarrier.arrive $0xFFFF;
	s2 =	simm.s32 @!p0 $0x1C01  }
0x58: {  	[timem:s3], [sflag:s2] =	dma.local @!p0 [hbm:s0], s1  }
0x59: {  	s0 =	simm.s32 @!p0 $0x1  }
0x5a: {  	_ =	swait.ge @!p0 [sflag:s0], s1  }
0x5b: {  	s1 =	ssub.s32 @!p0 $0x0, s1;
	[sflag:s0] =	ssyncset.done @!p0 $0x0  }
0x5c: {  	[sflag:s0] =	ssyncadd.s32 @!p0 s1  }
0x5d: {  	[bflag:$0x3] =	sbarrier.arrive $0xFFFF  }
0x5e: {  	_ =	shalt  }

// kernel: kernel.16.cloned.1.call-start
scs
__scs_entry_jumppad:
0x0: {  	(pc) =	sbr.rel $0x88, $3  }
0x1: {  	(tag) =	ssettag $0x0;
	lr =	simm.s32 $0x1  }
0x2: {  	[smem:$0x3F99] =	sst lr;
	_ =	strace $0xD0000000  }
0x3: {  	_ = 	snop  }
0x4: {  	_ = 	snop  }
0x5: {  	_ = 	snop  }
0x6: {  	_ = 	snop  }
0x7: {  	_ = 	snop  }
__scs_overlays_trampoline_lowered:
0x8: {  	[smem:$0x3FA8] =	sst s0  }
0x9: {  	[smem:$0x3FA9] =	sst s1  }
0xa: {  	[smem:$0x3FAA] =	sst s2  }
0xb: {  	[smem:$0x3FAB] =	sst s3  }
0xc: {  	[smem:$0x3FAC] =	sst s4  }
0xd: {  	[smem:$0x3FAD] =	sst s5  }
0xe: {  	[smem:$0x3FAE] =	sst s6  }
0xf: {  	[smem:$0x3FAF] =	sst s7  }
0x10: {  	[smem:$0x3FB0] =	sst s8  }
0x11: {  	[smem:$0x3FB1] =	sst s9;
	s0 =	simm.s32 @!p0 $0x0  }
0x12: {  	s1 =	sld [smem:$0x3F97];
	s0 =	simm.s32 @p0 $0x1  }
0x13: {  	[smem:$0x3FB2] =	sst s0;
	s0 =	simm.s32 @!p1 $0x0  }
0x14: {  	s2 =	sld [smem:$0x3F96];
	s0 =	simm.s32 @p1 $0x1  }
0x15: {  	[smem:$0x3FB3] =	sst s0;
	s0 =	simm.s32 @!p2 $0x0  }
0x16: {  	s3 =	sld [smem:$0x3FDB];
	s0 =	simm.s32 @p2 $0x1  }
0x17: {  	s4 =	simm.s32 $0x1BF5;
	[smem:$0x3FB5] =	sst s0  }
0x18: {  	s0 =	sld [smem:$0x3F98];
	_ =	swait.ge [sflag:s4], $0x0  }
0x19: {  	s7 =	sld [smem:$0x3F99]  }
0x1a: {  	s8 =	sadd.s32 $0xFFFFE003, lr  }
0x1b: {  	s9 =	sadd.s32 $0xFFFFFEF7, lr;
	s5 =	simm.s32 $0xFFFFFFFF;
	p2 =	slt.u32 s8, $0xFFFFF086  }
0x1c: {  	p1 =	slt.u32 s9, $0xF7A;
	s5 =	simm.s32 @!p2 $0x0  }
0x1d: {  	s5 =	simm.s32 @p1 $0x1;
	p0 =	seq.s32 s7, s2  }
0x1e: {  	s7 =	smul.u32 @!p0 $0xF7A, s2;
	p2 =	seq.s32 @!p0 s5, $0x0  }
0x1f: {  	s9 =	smul.u32 $0xF7A, s1;
	s8 =	simm.s32 @!p0 $0x1BF5;
	p2 =	por !p2, p0  }
0x20: {  	[sflag:s8] =	ssyncset.s32 @!p0 $0xFFFFF086;
	s6 =	sadd.s32 @!p0 s3, s7;
	s7 =	simm.s32 @!p0 $0x108  }
0x21: {  	s3 =	sadd.s32 s3, s9;
	s6 =	sadd.s32 @!p0 $0x88, s6;
	s7 =	simm.s32 @p2 $0x1082  }
0x22: {  	[simem:s7], [sflag:s8] =	dma.local @!p0 [hbm:s6], $0xF7A  }
0x23: {  	s9 =	sor.u32 $0xD0000000, s2;
	s6 =	simm.s32 $0x108;
	_ =	swait.ge @!p0 [sflag:s8], $0x0  }
0x24: {  	s3 =	sadd.s32 $0x88, s3;
	s6 =	simm.s32 @!p1 $0x1082;
	[sflag:s4] =	ssyncset.s32 $0xFFFFF086  }
0x25: {  	[simem:s6], [sflag:s4] =	dma.local [hbm:s3], $0xF7A  }
0x26: {  	[smem:$0x3F99] =	sst s1;
	(tag) =	ssettag s2;
	_ =	strace s9  }
0x27: {  	s1 =	sld [smem:$0x3FA9]  }
0x28: {  	s2 =	sld [smem:$0x3FAA]  }
0x29: {  	s4 =	sld [smem:$0x3FAC]  }
0x2a: {  	p0 =	seq.s32 s5, $0x0;
	s5 =	sld [smem:$0x3FAD]  }
0x2b: {  	s6 =	sld [smem:$0x3FAE]  }
0x2c: {  	s7 =	sld [smem:$0x3FAF]  }
0x2d: {  	s3 =	simm.s32 $0x108;
	s8 =	sld [smem:$0x3FB0]  }
0x2e: {  	s3 =	simm.s32 @!p0 $0x1082;
	s9 =	sld [smem:$0x3FB1]  }
0x2f: {  	lr =	sadd.s32 s0, s3;
	s0 =	sld [smem:$0x3FA8]  }
0x30: {  	s3 =	sld [smem:$0x3FAB]  }
0x31: {  	[smem:$0x3FB4] =	sst s10  }
0x32: {  	s10 =	sld [smem:$0x3FB2];
	_ =	sdelay $0x3  }
0x33: {  	p0 =	seq.s32 s10, $0x1;
	s10 =	sld [smem:$0x3FB4];
	_ =	sdelay $0x3  }
0x34: {  	[smem:$0x3FB4] =	sst s10  }
0x35: {  	s10 =	sld [smem:$0x3FB3];
	_ =	sdelay $0x3  }
0x36: {  	p1 =	seq.s32 s10, $0x1;
	s10 =	sld [smem:$0x3FB4];
	_ =	sdelay $0x3  }
0x37: {  	[smem:$0x3FB4] =	sst s10  }
0x38: {  	s10 =	sld [smem:$0x3FB5]  }
0x39: {  	_ = 	snop;
	(pc) =	sbr.ind lr, $3  }
0x3a: {  	_ = 	snop  }
0x3b: {  	_ = 	snop  }
0x3c: {  	p2 =	seq.s32 s10, $0x1;
	s10 =	sld [smem:$0x3FB4]  }
0x3d: {  	_ =	shalt  }
0x3e: {  	_ =	shalt  }
0x3f: {  	_ =	shalt  }
0x40: {  	_ =	shalt  }
0x41: {  	_ =	shalt  }
0x42: {  	_ =	shalt  }
0x43: {  	_ =	shalt  }
0x44: {  	_ =	shalt  }
0x45: {  	_ =	shalt  }
0x46: {  	_ =	shalt  }
0x47: {  	_ =	shalt  }
0x48: {  	_ =	shalt  }
0x49: {  	_ =	shalt  }
0x4a: {  	_ =	shalt  }
0x4b: {  	_ =	shalt  }
0x4c: {  	_ =	shalt  }
0x4d: {  	_ =	shalt  }
0x4e: {  	_ =	shalt  }
0x4f: {  	_ =	shalt  }
0x50: {  	_ =	shalt  }
0x51: {  	_ =	shalt  }
0x52: {  	_ =	shalt  }
0x53: {  	_ =	shalt  }
0x54: {  	_ =	shalt  }
0x55: {  	_ =	shalt  }
0x56: {  	_ =	shalt  }
0x57: {  	_ =	shalt  }
0x58: {  	_ =	shalt  }
0x59: {  	_ =	shalt  }
0x5a: {  	_ =	shalt  }
0x5b: {  	_ =	shalt  }
0x5c: {  	_ =	shalt  }
0x5d: {  	_ =	shalt  }
0x5e: {  	_ =	shalt  }
0x5f: {  	_ =	shalt  }
0x60: {  	_ =	shalt  }
0x61: {  	_ =	shalt  }
0x62: {  	_ =	shalt  }
0x63: {  	_ =	shalt  }
0x64: {  	_ =	shalt  }
0x65: {  	_ =	shalt  }
0x66: {  	_ =	shalt  }
0x67: {  	_ =	shalt  }
0x68: {  	_ =	shalt  }
0x69: {  	_ =	shalt  }
0x6a: {  	_ =	shalt  }
0x6b: {  	_ =	shalt  }
0x6c: {  	_ =	shalt  }
0x6d: {  	_ =	shalt  }
0x6e: {  	_ =	shalt  }
0x6f: {  	_ =	shalt  }
0x70: {  	_ =	shalt  }
0x71: {  	_ =	shalt  }
0x72: {  	_ =	shalt  }
0x73: {  	_ =	shalt  }
0x74: {  	_ =	shalt  }
0x75: {  	_ =	shalt  }
0x76: {  	_ =	shalt  }
0x77: {  	_ =	shalt  }
0x78: {  	_ =	shalt  }
0x79: {  	_ =	shalt  }
0x7a: {  	_ =	shalt  }
0x7b: {  	_ =	shalt  }
0x7c: {  	_ =	shalt  }
0x7d: {  	_ =	shalt  }
0x7e: {  	_ =	shalt  }
0x7f: {  	_ =	shalt  }
0x80: {  	_ =	shalt  }
0x81: {  	_ =	shalt  }
0x82: {  	_ =	shalt  }
0x83: {  	_ =	shalt  }
0x84: {  	_ =	shalt  }
0x85: {  	_ =	shalt  }
0x86: {  	_ =	shalt  }
0x87: {  	_ =	shalt  }
.Lfunc_end0:
.L_simem_size_0:
called_computation.2_lowered:
.L_overlay_start_0:
0x88: {  	s2 =	sld [smem:$0x3FD9]  }
0x89: {  	s3 =	sld [smem:$0x3FFE];
	_ =	sdelay $0x1  }
0x8a: {  	s1 =	srdreg.scid  }
0x8b: {  	s0 =	sand.u32 $0x1, s1  }
0x8c: {  	s17 =	sshll.u32 s0, $0xA;
	s2 =	sadd.s32 s3, s2  }
0x8d: {  	s2 =	sadd.s32 s2, s17  }
0x8e: {  	[smem:$0x3FC0] =	sst s2  }
0x8f: {  	_ = 	snop  }
0x90: {  	s2 =	sld [smem:$0x3FD0];
	(tm) =	ssettm $0x1  }
0x91: {  	s18 =	sld [smem:$0x3FFB];
	_ =	sdelay $0x3  }
0x92: {  	_ =	strace s18  }
0x93: {  	s3 =	sld [smem:$0x3FFC];
	_ =	sdelay $0x3  }
0x94: {  	_ =	strace s3  }
0x95: {  	s3 =	sld [smem:$0x3FFD];
	_ =	sdelay $0x3  }
0x96: {  	_ =	strace s3  }
0x97: {  	_ =	strace $0x8FFFFFFF  }
0x98: {  	s19 =	sld [smem:$0x3FDB];
	_ =	sdelay $0x1  }
0x99: {  	s4 =	simm.s32 $_scs_section_size  }
0x9a: {  	s5 =	simm.s32 $_size__tile_overlayer_lowered;
	s6 =	simm.s32 $_tile_overlayer_lowered  }
0x9b: {  	s22 =	simm.s32 $0x1BFF;
	s21 =	sshll.u32 s6, $0x1;
	s3 =	sadd.s32 s4, s19  }
0x9c: {  	s7 =	simm.s32 $0x0;
	s20 =	sshll.u32 s5, $0x1;
	s5 =	sadd.s32 s21, s3  }
0x9d: {  	[timem:s7], [sflag:s22] =	dma.local [hbm:s5], s20  }
0x9e: {  	_ =	swait.ge [sflag:s22], s20  }
0x9f: {  	s4 =	ssub.s32 $0x0, s20;
	[sflag:s22] =	ssyncset.done $0x0  }
0xa0: {  	[sflag:s22] =	ssyncadd.s32 s4;
	_ =	sdelay $0x1  }
0xa1: {  	s23 =	simm.s32 $0x1B8B  }
0xa2: {  	_ =	swait.ge [sflag:s23], $0x1  }
0xa3: {  	[sflag:s23] =	ssyncset.done $0x0  }
0xa4: {  	s25 =	simm.s32 $0x1B8E;
	s24 =	sld [smem:$0x3FFE];
	[sflag:s23] =	ssyncadd.s32 $0xFFFFFFFF  }
0xa5: {  	s26 =	simm.s32 $execute0_lowered;
	[smem:$0x3FD2] =	sst s25  }
0xa6: {  	s5 =	sshll.u32 s26, $0x1;
	_ =	strace $0x8000004C;
	[dreg:$0x1] =	wrdreg $0xFFFFFFFF  }
0xa7: {  	s28 =	simm.s32 $_size_execute0_lowered;
	s3 =	sadd.s32 s3, s5;
	[dreg:$0x0] =	wrdreg $0x0  }
0xa8: {  	s5 =	sshll.u32 s28, $0x1;
	[dreg:$0x2] =	wrdreg s3  }
0xa9: {  	[dreg:$0x3] =	wrdreg s5  }
0xaa: {  	[dreg:$0x4] =	wrdreg $0xC0  }
0xab: {  	_ =	task [dreg:s7], $0x5FFFF  }
0xac: {  	[dreg:$0x1] =	wrdreg $0xFFFFFFFF  }
0xad: {  	[dreg:$0x0] =	wrdreg $0x60  }
0xae: {  	[dreg:$0x2] =	wrdreg s24  }
0xaf: {  	[dreg:$0x3] =	wrdreg s2  }
0xb0: {  	[dreg:$0x4] =	wrdreg $0x98000  }
0xb1: {  	[dreg:$0x5] =	wrdreg $0x9  }
0xb2: {  	_ =	task.clear_ibuf [dreg:s7], $0x6FFFF;
	_ =	strace $0x9000004C  }
0xb3: {  	s29 =	simm.s32 $0x9;
	_ =	strace $0x8000004E  }
0xb4: {  	_ =	swait.ge [sflag:s29], $0x1  }
0xb5: {  	[sflag:s29] =	ssyncadd.s32 $0xFFFFFFFF  }
0xb6: {  	_ =	strace $0x9000004E  }
0xb7: {  	_ =	sfence  }
0xb8: {  	s30 =	sld [smem:$0x0];
	_ =	sdelay $0x2  }
0xb9: {  	s31 =	sshll.u32 s1, $0xD;
	s1 =	sshrl.u32 s1, $0x2  }
0xba: {  	s3 =	sand.u32 $0x4000, s31;
	s1 =	sadd.s32 s1, s30  }
0xbb: {  	s0 =	sor.u32 s3, s0;
	s1 =	sshll.u32 s1, $0x11  }
0xbc: {  	s0 =	sor.u32 s1, s0  }
0xbd: {  	s0 =	sadd.s32 $0x8F2B, s0  }
0xbe: {  	[sflag:s0] =	ssyncadd.remote.s32 $0x1  }
0xbf: {  	_ =	sfence.sel $0xFFFF  }
0xc0: {  	[dreg:$0x0] =	wrdreg $0xFFFFFFFF;
	(pc) =	sbr.abs _section_cstart, $3  }
0xc1: {  	[dreg:$0x1] =	wrdreg $0xFFFFFFFF  }
0xc2: {  	_ =	task.clear_ibuf [dreg:s7], $0x2FFFF;
	_ =	strace $0x9FFFFFFF  }
0xc3: {  	(tm) =	ssettm $0x7FFFFFFF  }
tec
execute0_lowered:
.L_overlay_start_1:
0x0: {  	(tag) =	ssettag $0x1  }
0x1: {  	s5 =	rddreg [dreg:$0x0]  }
0x2: {  	s6 =	rddreg [dreg:$0x1];
	s1 =	srdreg.scid  }
0x3: {  	s0 =	stileid.u32;
	s2 =	rddreg [dreg:$0x2];
	s3 =	simm.s32 $0x0  }
0x4: {  	s15 =	simm.s32 $0x5800;
	s16 =	simm.s32 $0x1;
	s4 =	smul.u32 $0x5800, s0  }
0x5: {  	s17 =	simm.s32 $0x80;
	s20 =	simm.s32 $0x0;
	s10 =	smul.u32 $0x14000, s0  }
0x6: {  	s7 =	sand.u32 $0x1, s1;
	s1 =	rddreg [dreg:$0x3];
	s11 =	smul.u32 $0x50000, s0  }
0x7: {  	[smem:$0x7FF] =	sst s3;
	s18 =	sshll.u32 s0, $0x6;
	s8 =	smul.u32 $0x2C00, s7  }
0x8: {  	s9 =	smul.u32 $0x140000, s7;
	_ =	strace $0x8000004D;
	s31 =	ssub.s32 $0x2, s7  }
0x9: {  	p0 =	seq.s32 s7, $0x0;
	s7 =	simm.s32 $0x57;
	s18 =	sor.u32 $0x1C01, s18  }
0xa: {  	s13 =	sshrl.u32 s31, $0x1;
	s11 =	sshrl.u32 s11, $0x2;
	s7 =	simm.s32 @!p0 $0x46  }
0xb: {  	s8 =	sadd.s32 s8, s4;
	s4 =	sadd.s32 $0x23200, s5;
	s9 =	sadd.s32 s10, s9  }
0xc: {  	s10 =	ssub.s32 s31, s13;
	s8 =	sshrl.u32 s8, $0x3;
	s9 =	sshrl.u32 s9, $0x3  }
0xd: {  	s10 =	smax.u32 s10, $0x1;
	s12 =	sadd.s32 s8, s5;
	s9 =	sadd.s32 s9, s5  }
0xe: {  	s5 =	sadd.s32 s11, s2;
	s6 =	sadd.s32 s6, s8;
	s8 =	sadd.s32 $0x18200, s12  }
0xf: {  	s9 =	sadd.s32 $0x4B200, s9;
	s11 =	sadd.s32 $0x4000, s5;
	s12 =	sadd.s32 $0x8000, s5  }
0x10: {  	v0 =	vimm.f32 $0.0e+00;
	s13 =	sadd.s32 $0xC000, s5;
	s14 =	sadd.s32 $0x10000, s5;
	s19 =	sshrl.u32 s5, $0x3  }
.LBB2_1:
0x11: {  	s21 =	sand.u32 $0xFE00, s3  }
0x12: {  	s22 =	sand.u32 $0x70, s3;
	s23 =	sshrl.u32 s21, $0x2  }
0x13: {  	s21 =	simm.s32 $0x40;
	s23 =	sor.u32 s22, s23;
	s22 =	simm.s32 $0x0  }
.LBB2_2:
0x14: {  	p0 =	sne.s32 s21, $0xFFC0  }
0x15: {  	[tilespmem:s23+$0x5800] =	vst v0;
	s22 =	sadd.s32 $0x10, s22;
	s23 =	smov.u32 s21;
	s21 =	sadd.s32 $0x40, s21  }
.Ltmp0:
0x16: {  	(pc) =	sbr.rel @p0 .LBB2_2-.Ltmp0, $4  }
0x17: {  	_ = 	snop  }
0x18: {  	s23 =	sand.u32 $0xFE00, s23  }
0x19: {  	s24 =	sand.u32 $0x70, s22;
	s23 =	sshrl.u32 s23, $0x2  }
0x1a: {  	s23 =	sor.u32 s24, s23  }
0x1b: {  	[tilespmem:s23+$0x5800] =	vst v0  }
0x1c: {  	[spmem:s5] =	stream.linear.scatter [tilespmem:s15], [sflag:$0x1], $0x4000, $0x38;
	[tilespmem:$0x1D800] =	vst v63  }
0x1d: {  	_ =	swait.ge [sflag:s16], $0x4000  }
0x1e: {  	[sflag:s16] =	ssyncset.done $0x0  }
0x1f: {  	[sflag:s16] =	ssyncadd.s32 $0xFFFFC000  }
0x20: {  	[spmem:s11] =	stream.linear.scatter [tilespmem:s15], [sflag:$0x1], $0x4000, $0x38;
	[tilespmem:$0x1D800] =	vst v63  }
0x21: {  	_ =	swait.ge [sflag:s16], $0x4000  }
0x22: {  	[sflag:s16] =	ssyncset.done $0x0  }
0x23: {  	[sflag:s16] =	ssyncadd.s32 $0xFFFFC000  }
0x24: {  	[spmem:s12] =	stream.linear.scatter [tilespmem:s15], [sflag:$0x1], $0x4000, $0x38;
	[tilespmem:$0x1D800] =	vst v63  }
0x25: {  	_ =	swait.ge [sflag:s16], $0x4000  }
0x26: {  	[sflag:s16] =	ssyncset.done $0x0  }
0x27: {  	[sflag:s16] =	ssyncadd.s32 $0xFFFFC000  }
0x28: {  	[spmem:s13] =	stream.linear.scatter [tilespmem:s15], [sflag:$0x1], $0x4000, $0x38;
	[tilespmem:$0x1D800] =	vst v63  }
0x29: {  	_ =	swait.ge [sflag:s16], $0x4000  }
0x2a: {  	[sflag:s16] =	ssyncset.done $0x0  }
0x2b: {  	[sflag:s16] =	ssyncadd.s32 $0xFFFFC000  }
0x2c: {  	[spmem:s14] =	stream.linear.scatter [tilespmem:s15], [sflag:$0x1], $0x4000, $0x38;
	[tilespmem:$0x1D800] =	vst v63  }
0x2d: {  	_ =	swait.ge [sflag:s16], $0x4000  }
0x2e: {  	[sflag:s16] =	ssyncset.done $0x0  }
0x2f: {  	[sflag:s16] =	ssyncadd.s32 $0xFFFFC000  }
0x30: {  	s21 =	simm.s32 $0x0;
	[bflag:$0x0] =	sbarrier.arrive $0xFFFF  }
0x31: {  	[tilespmem:s21], [sflag:$0x1] =	stream.linear.gather [hbm4b:s6+s21], $0x2C00, $0x38;
	[tilespmem:$0x1D800] =	vst v63  }
0x32: {  	_ =	swait.ge [sflag:s16], $0x2C00  }
0x33: {  	[sflag:s16] =	ssyncset.done $0x0  }
0x34: {  	s22 =	simm.s32 $0x2C00;
	[sflag:s16] =	ssyncadd.s32 $0xFFFFD400  }
0x35: {  	[tilespmem:s22], [sflag:$0x1] =	stream.linear.gather [hbm4b:s8+s21], $0x2C00, $0x38;
	[tilespmem:$0x1D800] =	vst v63  }
0x36: {  	_ =	swait.ge [sflag:s16], $0x2C00  }
0x37: {  	[sflag:s16] =	ssyncset.done $0x0  }
0x38: {  	[sflag:s16] =	ssyncadd.s32 $0xFFFFD400  }
0x39: {  	[tilespmem:s15], [sflag:$0x1] =	stream.indirect.gather [hbm4b:s4+s17], $0x80, s21, s17, $0xb8;
	[tilespmem:$0x1D800] =	vst v63  }
0x3a: {  	p0 =	sne.s32 s7, $0x1;
	_ =	swait.ge [sflag:s16], $0x4000  }
.Ltmp1:
0x3b: {  	[sflag:s16] =	ssyncset.done $0x0;
	(pc) =	sbr.rel @!p0 .LBB2_5-.Ltmp1, $4  }
0x3c: {  	[sflag:s16] =	ssyncadd.s32 $0xFFFFC000  }
0x3d: {  	[spmem:s2] =	stream.indirect.scatter.add.f32 [tilespmem:s15], [sflag:$0x1], $0x80, s22, s17, $0xb8;
	[tilespmem:$0x1D800] =	vst v63  }
0x3e: {  	_ =	swait.ge [sflag:s16], $0x4000  }
0x3f: {  	s23 =	sadd.s32 $0xFFFFFFFF, s7;
	[sflag:s16] =	ssyncset.done $0x0  }
.LBB2_4:
0x40: {  	[sflag:s16] =	ssyncadd.s32 $0xFFFFC000;
	s21 =	sadd.s32 $0x80, s21;
	s22 =	sadd.s32 $0x80, s22  }
0x41: {  	[tilespmem:s15], [sflag:$0x1] =	stream.indirect.gather [hbm4b:s4+s17], $0x80, s21, s17, $0xb8;
	[tilespmem:$0x1D800] =	vst v63  }
0x42: {  	p0 =	sne.s32 s23, $0x1;
	s23 =	sadd.s32 $0xFFFFFFFF, s23;
	_ =	swait.ge [sflag:s16], $0x4000  }
.Ltmp2:
0x43: {  	[sflag:s16] =	ssyncset.done $0x0;
	(pc) =	sbr.rel @p0 .LBB2_4-.Ltmp2, $4  }
0x44: {  	[sflag:s16] =	ssyncadd.s32 $0xFFFFC000  }
0x45: {  	[spmem:s2] =	stream.indirect.scatter.add.f32 [tilespmem:s15], [sflag:$0x1], $0x80, s22, s17, $0xb8;
	[tilespmem:$0x1D800] =	vst v63  }
0x46: {  	_ =	swait.ge [sflag:s16], $0x4000  }
0x47: {  	[sflag:s16] =	ssyncset.done $0x0  }
.LBB2_5:
0x48: {  	s20 =	sadd.s32 $0x1, s20  }
0x49: {  	[sflag:s16] =	ssyncadd.s32 $0xFFFFC000;
	p0 =	sne.s32 s20, s10  }
.Ltmp3:
0x4a: {  	[bflag:$0x0] =	sbarrier.arrive $0xFFFF;
	(pc) =	sbr.rel @p0 .LBB2_1-.Ltmp3, $4  }
0x4b: {  	[hbm:s9], [sflag:s18] =	dma.local [spmem:s19], $0x2800  }
0x4c: {  	_ =	swait.ge [sflag:s16], $0x2800  }
0x4d: {  	[sflag:s16] =	ssyncset.done $0x0  }
0x4e: {  	[sflag:s16] =	ssyncadd.s32 $0xFFFFD800  }
0x4f: {  	_ =	sfence.sel $0x180000  }
0x50: {  	[bflag:$0x0] =	sbarrier.arrive $0xFFFF  }
0x51: {  	p0 =	sne.s32 s0, $0x0;
	_ =	strace $0x9000004D  }
0x52: {  	s0 =	sadd.s32 @!p0 $0x100000, s1;
	[bflag:$0x2] =	sbarrier.arrive $0xFFFF  }
0x53: {  	[sflag:s0] =	ssyncadd.tile.s32 @!p0 $0x1;
	_ =	shalt  }
.Lfunc_end2:
_tile_overlayer_lowered:
.L_overlay_start_2:
0x54: {  	(tag) =	ssettag $0x2  }
0x55: {  	s0 =	rddreg [dreg:$0x0];
	s2 =	stileid.u32  }
0x56: {  	s1 =	rddreg [dreg:$0x1];
	p0 =	sne.s32 s2, $0x0  }
0x57: {  	s3 =	rddreg [dreg:$0x2];
	[bflag:$0x3] =	sbarrier.arrive $0xFFFF;
	s2 =	simm.s32 @!p0 $0x1C01  }
0x58: {  	[timem:s3], [sflag:s2] =	dma.local @!p0 [hbm:s0], s1  }
0x59: {  	s0 =	simm.s32 @!p0 $0x1  }
0x5a: {  	_ =	swait.ge @!p0 [sflag:s0], s1  }
0x5b: {  	s1 =	ssub.s32 @!p0 $0x0, s1;
	[sflag:s0] =	ssyncset.done @!p0 $0x0  }
0x5c: {  	[sflag:s0] =	ssyncadd.s32 @!p0 s1  }
0x5d: {  	[bflag:$0x3] =	sbarrier.arrive $0xFFFF  }
0x5e: {  	_ =	shalt  }

// kernel: kernel.19.cloned.1.call-start
scs
__scs_entry_jumppad:
0x0: {  	(pc) =	sbr.rel $0x88, $3  }
0x1: {  	(tag) =	ssettag $0x0;
	lr =	simm.s32 $0x1  }
0x2: {  	[smem:$0x3F99] =	sst lr;
	_ =	strace $0xD0000000  }
0x3: {  	_ = 	snop  }
0x4: {  	_ = 	snop  }
0x5: {  	_ = 	snop  }
0x6: {  	_ = 	snop  }
0x7: {  	_ = 	snop  }
__scs_overlays_trampoline_lowered:
0x8: {  	[smem:$0x3FA8] =	sst s0  }
0x9: {  	[smem:$0x3FA9] =	sst s1  }
0xa: {  	[smem:$0x3FAA] =	sst s2  }
0xb: {  	[smem:$0x3FAB] =	sst s3  }
0xc: {  	[smem:$0x3FAC] =	sst s4  }
0xd: {  	[smem:$0x3FAD] =	sst s5  }
0xe: {  	[smem:$0x3FAE] =	sst s6  }
0xf: {  	[smem:$0x3FAF] =	sst s7  }
0x10: {  	[smem:$0x3FB0] =	sst s8  }
0x11: {  	[smem:$0x3FB1] =	sst s9;
	s0 =	simm.s32 @!p0 $0x0  }
0x12: {  	s1 =	sld [smem:$0x3F97];
	s0 =	simm.s32 @p0 $0x1  }
0x13: {  	[smem:$0x3FB2] =	sst s0;
	s0 =	simm.s32 @!p1 $0x0  }
0x14: {  	s2 =	sld [smem:$0x3F96];
	s0 =	simm.s32 @p1 $0x1  }
0x15: {  	[smem:$0x3FB3] =	sst s0;
	s0 =	simm.s32 @!p2 $0x0  }
0x16: {  	s3 =	sld [smem:$0x3FDB];
	s0 =	simm.s32 @p2 $0x1  }
0x17: {  	s4 =	simm.s32 $0x1BF5;
	[smem:$0x3FB5] =	sst s0  }
0x18: {  	s0 =	sld [smem:$0x3F98];
	_ =	swait.ge [sflag:s4], $0x0  }
0x19: {  	s7 =	sld [smem:$0x3F99]  }
0x1a: {  	s8 =	sadd.s32 $0xFFFFE003, lr  }
0x1b: {  	s9 =	sadd.s32 $0xFFFFFEF7, lr;
	s5 =	simm.s32 $0xFFFFFFFF;
	p2 =	slt.u32 s8, $0xFFFFF086  }
0x1c: {  	p1 =	slt.u32 s9, $0xF7A;
	s5 =	simm.s32 @!p2 $0x0  }
0x1d: {  	s5 =	simm.s32 @p1 $0x1;
	p0 =	seq.s32 s7, s2  }
0x1e: {  	s7 =	smul.u32 @!p0 $0xF7A, s2;
	p2 =	seq.s32 @!p0 s5, $0x0  }
0x1f: {  	s9 =	smul.u32 $0xF7A, s1;
	s8 =	simm.s32 @!p0 $0x1BF5;
	p2 =	por !p2, p0  }
0x20: {  	[sflag:s8] =	ssyncset.s32 @!p0 $0xFFFFF086;
	s6 =	sadd.s32 @!p0 s3, s7;
	s7 =	simm.s32 @!p0 $0x108  }
0x21: {  	s3 =	sadd.s32 s3, s9;
	s6 =	sadd.s32 @!p0 $0x88, s6;
	s7 =	simm.s32 @p2 $0x1082  }
0x22: {  	[simem:s7], [sflag:s8] =	dma.local @!p0 [hbm:s6], $0xF7A  }
0x23: {  	s9 =	sor.u32 $0xD0000000, s2;
	s6 =	simm.s32 $0x108;
	_ =	swait.ge @!p0 [sflag:s8], $0x0  }
0x24: {  	s3 =	sadd.s32 $0x88, s3;
	s6 =	simm.s32 @!p1 $0x1082;
	[sflag:s4] =	ssyncset.s32 $0xFFFFF086  }
0x25: {  	[simem:s6], [sflag:s4] =	dma.local [hbm:s3], $0xF7A  }
0x26: {  	[smem:$0x3F99] =	sst s1;
	(tag) =	ssettag s2;
	_ =	strace s9  }
0x27: {  	s1 =	sld [smem:$0x3FA9]  }
0x28: {  	s2 =	sld [smem:$0x3FAA]  }
0x29: {  	s4 =	sld [smem:$0x3FAC]  }
0x2a: {  	p0 =	seq.s32 s5, $0x0;
	s5 =	sld [smem:$0x3FAD]  }
0x2b: {  	s6 =	sld [smem:$0x3FAE]  }
0x2c: {  	s7 =	sld [smem:$0x3FAF]  }
0x2d: {  	s3 =	simm.s32 $0x108;
	s8 =	sld [smem:$0x3FB0]  }
0x2e: {  	s3 =	simm.s32 @!p0 $0x1082;
	s9 =	sld [smem:$0x3FB1]  }
0x2f: {  	lr =	sadd.s32 s0, s3;
	s0 =	sld [smem:$0x3FA8]  }
0x30: {  	s3 =	sld [smem:$0x3FAB]  }
0x31: {  	[smem:$0x3FB4] =	sst s10  }
0x32: {  	s10 =	sld [smem:$0x3FB2];
	_ =	sdelay $0x3  }
0x33: {  	p0 =	seq.s32 s10, $0x1;
	s10 =	sld [smem:$0x3FB4];
	_ =	sdelay $0x3  }
0x34: {  	[smem:$0x3FB4] =	sst s10  }
0x35: {  	s10 =	sld [smem:$0x3FB3];
	_ =	sdelay $0x3  }
0x36: {  	p1 =	seq.s32 s10, $0x1;
	s10 =	sld [smem:$0x3FB4];
	_ =	sdelay $0x3  }
0x37: {  	[smem:$0x3FB4] =	sst s10  }
0x38: {  	s10 =	sld [smem:$0x3FB5]  }
0x39: {  	_ = 	snop;
	(pc) =	sbr.ind lr, $3  }
0x3a: {  	_ = 	snop  }
0x3b: {  	_ = 	snop  }
0x3c: {  	p2 =	seq.s32 s10, $0x1;
	s10 =	sld [smem:$0x3FB4]  }
0x3d: {  	_ =	shalt  }
0x3e: {  	_ =	shalt  }
0x3f: {  	_ =	shalt  }
0x40: {  	_ =	shalt  }
0x41: {  	_ =	shalt  }
0x42: {  	_ =	shalt  }
0x43: {  	_ =	shalt  }
0x44: {  	_ =	shalt  }
0x45: {  	_ =	shalt  }
0x46: {  	_ =	shalt  }
0x47: {  	_ =	shalt  }
0x48: {  	_ =	shalt  }
0x49: {  	_ =	shalt  }
0x4a: {  	_ =	shalt  }
0x4b: {  	_ =	shalt  }
0x4c: {  	_ =	shalt  }
0x4d: {  	_ =	shalt  }
0x4e: {  	_ =	shalt  }
0x4f: {  	_ =	shalt  }
0x50: {  	_ =	shalt  }
0x51: {  	_ =	shalt  }
0x52: {  	_ =	shalt  }
0x53: {  	_ =	shalt  }
0x54: {  	_ =	shalt  }
0x55: {  	_ =	shalt  }
0x56: {  	_ =	shalt  }
0x57: {  	_ =	shalt  }
0x58: {  	_ =	shalt  }
0x59: {  	_ =	shalt  }
0x5a: {  	_ =	shalt  }
0x5b: {  	_ =	shalt  }
0x5c: {  	_ =	shalt  }
0x5d: {  	_ =	shalt  }
0x5e: {  	_ =	shalt  }
0x5f: {  	_ =	shalt  }
0x60: {  	_ =	shalt  }
0x61: {  	_ =	shalt  }
0x62: {  	_ =	shalt  }
0x63: {  	_ =	shalt  }
0x64: {  	_ =	shalt  }
0x65: {  	_ =	shalt  }
0x66: {  	_ =	shalt  }
0x67: {  	_ =	shalt  }
0x68: {  	_ =	shalt  }
0x69: {  	_ =	shalt  }
0x6a: {  	_ =	shalt  }
0x6b: {  	_ =	shalt  }
0x6c: {  	_ =	shalt  }
0x6d: {  	_ =	shalt  }
0x6e: {  	_ =	shalt  }
0x6f: {  	_ =	shalt  }
0x70: {  	_ =	shalt  }
0x71: {  	_ =	shalt  }
0x72: {  	_ =	shalt  }
0x73: {  	_ =	shalt  }
0x74: {  	_ =	shalt  }
0x75: {  	_ =	shalt  }
0x76: {  	_ =	shalt  }
0x77: {  	_ =	shalt  }
0x78: {  	_ =	shalt  }
0x79: {  	_ =	shalt  }
0x7a: {  	_ =	shalt  }
0x7b: {  	_ =	shalt  }
0x7c: {  	_ =	shalt  }
0x7d: {  	_ =	shalt  }
0x7e: {  	_ =	shalt  }
0x7f: {  	_ =	shalt  }
0x80: {  	_ =	shalt  }
0x81: {  	_ =	shalt  }
0x82: {  	_ =	shalt  }
0x83: {  	_ =	shalt  }
0x84: {  	_ =	shalt  }
0x85: {  	_ =	shalt  }
0x86: {  	_ =	shalt  }
0x87: {  	_ =	shalt  }
.Lfunc_end0:
.L_simem_size_0:
called_computation.3_lowered:
.L_overlay_start_0:
0x88: {  	s2 =	sld [smem:$0x3FD9]  }
0x89: {  	s3 =	sld [smem:$0x3FFE];
	_ =	sdelay $0x1  }
0x8a: {  	s1 =	srdreg.scid  }
0x8b: {  	s0 =	sand.u32 $0x1, s1  }
0x8c: {  	s17 =	sshll.u32 s0, $0xA;
	s2 =	sadd.s32 s3, s2  }
0x8d: {  	s2 =	sadd.s32 s2, s17  }
0x8e: {  	[smem:$0x3FC0] =	sst s2  }
0x8f: {  	_ = 	snop  }
0x90: {  	s2 =	sld [smem:$0x3FD0];
	(tm) =	ssettm $0x1  }
0x91: {  	s18 =	sld [smem:$0x3FFB];
	_ =	sdelay $0x3  }
0x92: {  	_ =	strace s18  }
0x93: {  	s3 =	sld [smem:$0x3FFC];
	_ =	sdelay $0x3  }
0x94: {  	_ =	strace s3  }
0x95: {  	s3 =	sld [smem:$0x3FFD];
	_ =	sdelay $0x3  }
0x96: {  	_ =	strace s3  }
0x97: {  	_ =	strace $0x8FFFFFFF  }
0x98: {  	s19 =	sld [smem:$0x3FDB];
	_ =	sdelay $0x1  }
0x99: {  	s4 =	simm.s32 $_scs_section_size  }
0x9a: {  	s5 =	simm.s32 $_size__tile_overlayer_lowered;
	s6 =	simm.s32 $_tile_overlayer_lowered  }
0x9b: {  	s22 =	simm.s32 $0x1BFF;
	s21 =	sshll.u32 s6, $0x1;
	s3 =	sadd.s32 s4, s19  }
0x9c: {  	s7 =	simm.s32 $0x0;
	s20 =	sshll.u32 s5, $0x1;
	s5 =	sadd.s32 s21, s3  }
0x9d: {  	[timem:s7], [sflag:s22] =	dma.local [hbm:s5], s20  }
0x9e: {  	_ =	swait.ge [sflag:s22], s20  }
0x9f: {  	s4 =	ssub.s32 $0x0, s20;
	[sflag:s22] =	ssyncset.done $0x0  }
0xa0: {  	[sflag:s22] =	ssyncadd.s32 s4;
	_ =	sdelay $0x1  }
0xa1: {  	s23 =	simm.s32 $0x1B8B  }
0xa2: {  	_ =	swait.ge [sflag:s23], $0x1  }
0xa3: {  	[sflag:s23] =	ssyncset.done $0x0  }
0xa4: {  	s25 =	simm.s32 $0x1B8E;
	s24 =	sld [smem:$0x3FFE];
	[sflag:s23] =	ssyncadd.s32 $0xFFFFFFFF  }
0xa5: {  	s26 =	simm.s32 $execute0_lowered;
	[smem:$0x3FD2] =	sst s25  }
0xa6: {  	s5 =	sshll.u32 s26, $0x1;
	_ =	strace $0x8000004F;
	[dreg:$0x1] =	wrdreg $0xFFFFFFFF  }
0xa7: {  	s28 =	simm.s32 $_size_execute0_lowered;
	s3 =	sadd.s32 s3, s5;
	[dreg:$0x0] =	wrdreg $0x0  }
0xa8: {  	s5 =	sshll.u32 s28, $0x1;
	[dreg:$0x2] =	wrdreg s3  }
0xa9: {  	[dreg:$0x3] =	wrdreg s5  }
0xaa: {  	[dreg:$0x4] =	wrdreg $0xC0  }
0xab: {  	_ =	task [dreg:s7], $0x5FFFF  }
0xac: {  	[dreg:$0x1] =	wrdreg $0xFFFFFFFF  }
0xad: {  	[dreg:$0x0] =	wrdreg $0x60  }
0xae: {  	[dreg:$0x2] =	wrdreg s24  }
0xaf: {  	[dreg:$0x3] =	wrdreg s2  }
0xb0: {  	[dreg:$0x4] =	wrdreg $0x98000  }
0xb1: {  	[dreg:$0x5] =	wrdreg $0x9  }
0xb2: {  	_ =	task.clear_ibuf [dreg:s7], $0x6FFFF;
	_ =	strace $0x9000004F  }
0xb3: {  	s29 =	simm.s32 $0x9;
	_ =	strace $0x80000051  }
0xb4: {  	_ =	swait.ge [sflag:s29], $0x1  }
0xb5: {  	[sflag:s29] =	ssyncadd.s32 $0xFFFFFFFF  }
0xb6: {  	_ =	strace $0x90000051  }
0xb7: {  	_ =	sfence  }
0xb8: {  	s30 =	sld [smem:$0x0];
	_ =	sdelay $0x2  }
0xb9: {  	s31 =	sshll.u32 s1, $0xD;
	s1 =	sshrl.u32 s1, $0x2  }
0xba: {  	s3 =	sand.u32 $0x4000, s31;
	s1 =	sadd.s32 s1, s30  }
0xbb: {  	s0 =	sor.u32 s3, s0;
	s1 =	sshll.u32 s1, $0x11  }
0xbc: {  	s0 =	sor.u32 s1, s0  }
0xbd: {  	s0 =	sadd.s32 $0x8F2B, s0  }
0xbe: {  	[sflag:s0] =	ssyncadd.remote.s32 $0x1  }
0xbf: {  	_ =	sfence.sel $0xFFFF  }
0xc0: {  	[dreg:$0x0] =	wrdreg $0xFFFFFFFF;
	(pc) =	sbr.abs _section_cstart, $3  }
0xc1: {  	[dreg:$0x1] =	wrdreg $0xFFFFFFFF  }
0xc2: {  	_ =	task.clear_ibuf [dreg:s7], $0x2FFFF;
	_ =	strace $0x9FFFFFFF  }
0xc3: {  	(tm) =	ssettm $0x7FFFFFFF  }
tec
execute0_lowered:
.L_overlay_start_1:
0x0: {  	(tag) =	ssettag $0x1  }
0x1: {  	s5 =	rddreg [dreg:$0x0]  }
0x2: {  	s6 =	rddreg [dreg:$0x1];
	s1 =	srdreg.scid  }
0x3: {  	s0 =	stileid.u32;
	s2 =	rddreg [dreg:$0x2];
	s3 =	simm.s32 $0x0  }
0x4: {  	s15 =	simm.s32 $0x5800;
	s16 =	simm.s32 $0x1;
	s4 =	smul.u32 $0x5800, s0  }
0x5: {  	s17 =	simm.s32 $0x80;
	s20 =	simm.s32 $0x0;
	s10 =	smul.u32 $0x14000, s0  }
0x6: {  	s7 =	sand.u32 $0x1, s1;
	s1 =	rddreg [dreg:$0x3];
	s11 =	smul.u32 $0x50000, s0  }
0x7: {  	[smem:$0x7FF] =	sst s3;
	s18 =	sshll.u32 s0, $0x6;
	s8 =	smul.u32 $0x2C00, s7  }
0x8: {  	s9 =	smul.u32 $0x140000, s7;
	_ =	strace $0x80000050;
	s31 =	ssub.s32 $0x2, s7  }
0x9: {  	p0 =	seq.s32 s7, $0x0;
	s7 =	simm.s32 $0x57;
	s18 =	sor.u32 $0x1C01, s18  }
0xa: {  	s13 =	sshrl.u32 s31, $0x1;
	s11 =	sshrl.u32 s11, $0x2;
	s7 =	simm.s32 @!p0 $0x46  }
0xb: {  	s8 =	sadd.s32 s8, s4;
	s4 =	sadd.s32 $0x23200, s5;
	s9 =	sadd.s32 s10, s9  }
0xc: {  	s10 =	ssub.s32 s31, s13;
	s8 =	sshrl.u32 s8, $0x3;
	s9 =	sshrl.u32 s9, $0x3  }
0xd: {  	s10 =	smax.u32 s10, $0x1;
	s12 =	sadd.s32 s8, s5;
	s9 =	sadd.s32 s9, s5  }
0xe: {  	s5 =	sadd.s32 s11, s2;
	s6 =	sadd.s32 s6, s8;
	s8 =	sadd.s32 $0x18200, s12  }
0xf: {  	s9 =	sadd.s32 $0x4B200, s9;
	s11 =	sadd.s32 $0x4000, s5;
	s12 =	sadd.s32 $0x8000, s5  }
0x10: {  	v0 =	vimm.f32 $0.0e+00;
	s13 =	sadd.s32 $0xC000, s5;
	s14 =	sadd.s32 $0x10000, s5;
	s19 =	sshrl.u32 s5, $0x3  }
.LBB2_1:
0x11: {  	s21 =	sand.u32 $0xFE00, s3  }
0x12: {  	s22 =	sand.u32 $0x70, s3;
	s23 =	sshrl.u32 s21, $0x2  }
0x13: {  	s21 =	simm.s32 $0x40;
	s23 =	sor.u32 s22, s23;
	s22 =	simm.s32 $0x0  }
.LBB2_2:
0x14: {  	p0 =	sne.s32 s21, $0xFFC0  }
0x15: {  	[tilespmem:s23+$0x5800] =	vst v0;
	s22 =	sadd.s32 $0x10, s22;
	s23 =	smov.u32 s21;
	s21 =	sadd.s32 $0x40, s21  }
.Ltmp0:
0x16: {  	(pc) =	sbr.rel @p0 .LBB2_2-.Ltmp0, $4  }
0x17: {  	_ = 	snop  }
0x18: {  	s23 =	sand.u32 $0xFE00, s23  }
0x19: {  	s24 =	sand.u32 $0x70, s22;
	s23 =	sshrl.u32 s23, $0x2  }
0x1a: {  	s23 =	sor.u32 s24, s23  }
0x1b: {  	[tilespmem:s23+$0x5800] =	vst v0  }
0x1c: {  	[spmem:s5] =	stream.linear.scatter [tilespmem:s15], [sflag:$0x1], $0x4000, $0x38;
	[tilespmem:$0x1D800] =	vst v63  }
0x1d: {  	_ =	swait.ge [sflag:s16], $0x4000  }
0x1e: {  	[sflag:s16] =	ssyncset.done $0x0  }
0x1f: {  	[sflag:s16] =	ssyncadd.s32 $0xFFFFC000  }
0x20: {  	[spmem:s11] =	stream.linear.scatter [tilespmem:s15], [sflag:$0x1], $0x4000, $0x38;
	[tilespmem:$0x1D800] =	vst v63  }
0x21: {  	_ =	swait.ge [sflag:s16], $0x4000  }
0x22: {  	[sflag:s16] =	ssyncset.done $0x0  }
0x23: {  	[sflag:s16] =	ssyncadd.s32 $0xFFFFC000  }
0x24: {  	[spmem:s12] =	stream.linear.scatter [tilespmem:s15], [sflag:$0x1], $0x4000, $0x38;
	[tilespmem:$0x1D800] =	vst v63  }
0x25: {  	_ =	swait.ge [sflag:s16], $0x4000  }
0x26: {  	[sflag:s16] =	ssyncset.done $0x0  }
0x27: {  	[sflag:s16] =	ssyncadd.s32 $0xFFFFC000  }
0x28: {  	[spmem:s13] =	stream.linear.scatter [tilespmem:s15], [sflag:$0x1], $0x4000, $0x38;
	[tilespmem:$0x1D800] =	vst v63  }
0x29: {  	_ =	swait.ge [sflag:s16], $0x4000  }
0x2a: {  	[sflag:s16] =	ssyncset.done $0x0  }
0x2b: {  	[sflag:s16] =	ssyncadd.s32 $0xFFFFC000  }
0x2c: {  	[spmem:s14] =	stream.linear.scatter [tilespmem:s15], [sflag:$0x1], $0x4000, $0x38;
	[tilespmem:$0x1D800] =	vst v63  }
0x2d: {  	_ =	swait.ge [sflag:s16], $0x4000  }
0x2e: {  	[sflag:s16] =	ssyncset.done $0x0  }
0x2f: {  	[sflag:s16] =	ssyncadd.s32 $0xFFFFC000  }
0x30: {  	s21 =	simm.s32 $0x0;
	[bflag:$0x0] =	sbarrier.arrive $0xFFFF  }
0x31: {  	[tilespmem:s21], [sflag:$0x1] =	stream.linear.gather [hbm4b:s6+s21], $0x2C00, $0x38;
	[tilespmem:$0x1D800] =	vst v63  }
0x32: {  	_ =	swait.ge [sflag:s16], $0x2C00  }
0x33: {  	[sflag:s16] =	ssyncset.done $0x0  }
0x34: {  	s22 =	simm.s32 $0x2C00;
	[sflag:s16] =	ssyncadd.s32 $0xFFFFD400  }
0x35: {  	[tilespmem:s22], [sflag:$0x1] =	stream.linear.gather [hbm4b:s8+s21], $0x2C00, $0x38;
	[tilespmem:$0x1D800] =	vst v63  }
0x36: {  	_ =	swait.ge [sflag:s16], $0x2C00  }
0x37: {  	[sflag:s16] =	ssyncset.done $0x0  }
0x38: {  	[sflag:s16] =	ssyncadd.s32 $0xFFFFD400  }
0x39: {  	[tilespmem:s15], [sflag:$0x1] =	stream.indirect.gather [hbm4b:s4+s17], $0x80, s21, s17, $0xb8;
	[tilespmem:$0x1D800] =	vst v63  }
0x3a: {  	p0 =	sne.s32 s7, $0x1;
	_ =	swait.ge [sflag:s16], $0x4000  }
.Ltmp1:
0x3b: {  	[sflag:s16] =	ssyncset.done $0x0;
	(pc) =	sbr.rel @!p0 .LBB2_5-.Ltmp1, $4  }
0x3c: {  	[sflag:s16] =	ssyncadd.s32 $0xFFFFC000  }
0x3d: {  	[spmem:s2] =	stream.indirect.scatter.add.f32 [tilespmem:s15], [sflag:$0x1], $0x80, s22, s17, $0xb8;
	[tilespmem:$0x1D800] =	vst v63  }
0x3e: {  	_ =	swait.ge [sflag:s16], $0x4000  }
0x3f: {  	s23 =	sadd.s32 $0xFFFFFFFF, s7;
	[sflag:s16] =	ssyncset.done $0x0  }
.LBB2_4:
0x40: {  	[sflag:s16] =	ssyncadd.s32 $0xFFFFC000;
	s21 =	sadd.s32 $0x80, s21;
	s22 =	sadd.s32 $0x80, s22  }
0x41: {  	[tilespmem:s15], [sflag:$0x1] =	stream.indirect.gather [hbm4b:s4+s17], $0x80, s21, s17, $0xb8;
	[tilespmem:$0x1D800] =	vst v63  }
0x42: {  	p0 =	sne.s32 s23, $0x1;
	s23 =	sadd.s32 $0xFFFFFFFF, s23;
	_ =	swait.ge [sflag:s16], $0x4000  }
.Ltmp2:
0x43: {  	[sflag:s16] =	ssyncset.done $0x0;
	(pc) =	sbr.rel @p0 .LBB2_4-.Ltmp2, $4  }
0x44: {  	[sflag:s16] =	ssyncadd.s32 $0xFFFFC000  }
0x45: {  	[spmem:s2] =	stream.indirect.scatter.add.f32 [tilespmem:s15], [sflag:$0x1], $0x80, s22, s17, $0xb8;
	[tilespmem:$0x1D800] =	vst v63  }
0x46: {  	_ =	swait.ge [sflag:s16], $0x4000  }
0x47: {  	[sflag:s16] =	ssyncset.done $0x0  }
.LBB2_5:
0x48: {  	s20 =	sadd.s32 $0x1, s20  }
0x49: {  	[sflag:s16] =	ssyncadd.s32 $0xFFFFC000;
	p0 =	sne.s32 s20, s10  }
.Ltmp3:
0x4a: {  	[bflag:$0x0] =	sbarrier.arrive $0xFFFF;
	(pc) =	sbr.rel @p0 .LBB2_1-.Ltmp3, $4  }
0x4b: {  	[hbm:s9], [sflag:s18] =	dma.local [spmem:s19], $0x2800  }
0x4c: {  	_ =	swait.ge [sflag:s16], $0x2800  }
0x4d: {  	[sflag:s16] =	ssyncset.done $0x0  }
0x4e: {  	[sflag:s16] =	ssyncadd.s32 $0xFFFFD800  }
0x4f: {  	_ =	sfence.sel $0x180000  }
0x50: {  	[bflag:$0x0] =	sbarrier.arrive $0xFFFF  }
0x51: {  	p0 =	sne.s32 s0, $0x0;
	_ =	strace $0x90000050  }
0x52: {  	s0 =	sadd.s32 @!p0 $0x100000, s1;
	[bflag:$0x2] =	sbarrier.arrive $0xFFFF  }
0x53: {  	[sflag:s0] =	ssyncadd.tile.s32 @!p0 $0x1;
	_ =	shalt  }
.Lfunc_end2:
_tile_overlayer_lowered:
.L_overlay_start_2:
0x54: {  	(tag) =	ssettag $0x2  }
0x55: {  	s0 =	rddreg [dreg:$0x0];
	s2 =	stileid.u32  }
0x56: {  	s1 =	rddreg [dreg:$0x1];
	p0 =	sne.s32 s2, $0x0  }
0x57: {  	s3 =	rddreg [dreg:$0x2];
	[bflag:$0x3] =	sbarrier.arrive $0xFFFF;
	s2 =	simm.s32 @!p0 $0x1C01  }
0x58: {  	[timem:s3], [sflag:s2] =	dma.local @!p0 [hbm:s0], s1  }
0x59: {  	s0 =	simm.s32 @!p0 $0x1  }
0x5a: {  	_ =	swait.ge @!p0 [sflag:s0], s1  }
0x5b: {  	s1 =	ssub.s32 @!p0 $0x0, s1;
	[sflag:s0] =	ssyncset.done @!p0 $0x0  }
0x5c: {  	[sflag:s0] =	ssyncadd.s32 @!p0 s1  }
0x5d: {  	[bflag:$0x3] =	sbarrier.arrive $0xFFFF  }
0x5e: {  	_ =	shalt  }

</sc_bundles>
